<compile_context>
chip_gen: v7x
topology: tpu7x:2x2x1
jax: 0.10.2.dev20260603
libtpu: 0.0.44.dev20260713+nightly
codegen_flags: <defaults>
</compile_context>

<pallas_src>
import functools

import jax
import jax.numpy as jnp
from jax import lax
from jax.experimental import pallas as pl
from jax.experimental.pallas import tpu as pltpu
from jax.experimental.pallas import tpu_sc as plsc

B = 16384
L = 50
D = 64
H = 256
VOCAB = 1000000

NC = 2
NS = 16
NW = NC * NS
SAMP_PER_W = B // NW
CBLK = 4
GROWS = CBLK * L

ABLK = 32768
AGRID = -(-VOCAB // ABLK)
UPAD = AGRID * ABLK

NBLK = 16
CROWS = (B // NBLK) // 128


def _proj_body(tab_ref, w1_ref, w2_ref, u_ref):
    dw = w2_ref[:, 1] - w2_ref[:, 0]
    wrow = jnp.sum(w1_ref[...] * dw[None, :], axis=1)[None, :]
    u_ref[...] = jnp.dot(wrow, tab_ref[...],
                         preferred_element_type=jnp.float32)


_proj = pl.pallas_call(
    _proj_body,
    grid=(AGRID,),
    in_specs=[
        pl.BlockSpec((D, ABLK), lambda i: (0, i)),
        pl.BlockSpec((D, H), lambda i: (0, 0)),
        pl.BlockSpec((H, 2), lambda i: (0, 0)),
    ],
    out_specs=pl.BlockSpec((1, ABLK), lambda i: (0, i)),
    out_shape=jax.ShapeDtypeStruct((1, UPAD), jnp.float32),
)


def _sc_pool_body(xt_hbm, u_hbm, out_hbm, idx_v, dst_v, sums_v, sem):
    wid = lax.axis_index("s") * NC + lax.axis_index("c")
    for c in range(CBLK):
        pltpu.sync_copy(xt_hbm.at[:, pl.ds(wid * SAMP_PER_W + c * 128, 128)],
                        idx_v.at[pl.ds(c * L, L), :])

    def fire(j, carry):
        pltpu.async_copy(u_hbm.at[idx_v.at[j]], dst_v.at[j], sem)
        return carry

    lax.fori_loop(0, GROWS, fire, 0)

    def drain(j, carry):
        pltpu.make_async_copy(u_hbm.at[idx_v.at[j]], dst_v.at[j], sem).wait()
        return carry

    lax.fori_loop(0, GROWS, drain, 0)

    def pool(i, carry):
        c = i // 8
        lane = (i % 8) * 16
        r0 = c * L
        acc = dst_v[r0, pl.ds(lane, 16)]
        for t in range(1, L):
            acc = acc + dst_v[r0 + t, pl.ds(lane, 16)]
        sums_v[c, pl.ds(lane, 16)] = acc
        return carry

    lax.fori_loop(0, CBLK * 8, pool, 0)
    pltpu.sync_copy(sums_v, out_hbm.at[pl.ds(wid * CBLK, CBLK), :])


@functools.cache
def _sc_pool():
    return functools.partial(
        pl.kernel,
        out_type=jax.ShapeDtypeStruct((B // 128, 128), jnp.float32),
        mesh=plsc.VectorSubcoreMesh(core_axis_name="c", subcore_axis_name="s",
                                    num_cores=NC, num_subcores=NS),
        scratch_types=[
            pltpu.VMEM((GROWS, 128), jnp.int32),
            pltpu.VMEM((GROWS, 128), jnp.float32),
            pltpu.VMEM((CBLK, 128), jnp.float32),
            pltpu.SemaphoreType.DMA,
        ],
        compiler_params=pltpu.CompilerParams(use_tc_tiling_on_sc=False),
    )(_sc_pool_body)


def _loss_body(y_ref, s_ref, w2_ref, b1_ref, b2_ref, cost_ref, corr_ref):
    dw = w2_ref[:, 1] - w2_ref[:, 0]
    beta = (jnp.sum(b1_ref[0, :] * dw)
            + (b2_ref[0, 1] - b2_ref[0, 0]))
    s = s_ref[...] / jnp.float32(L) + beta
    y = y_ref[...]
    sp = jnp.where(y == 0, s, -s)
    contrib = jnp.maximum(sp, 0.0) + jnp.log1p(jnp.exp(-jnp.abs(sp)))
    cost_ref[0, 0] = jnp.sum(contrib) / jnp.float32(B)
    corr_ref[0, 0] = jnp.sum(((s > 0) == (y == 1)).astype(jnp.int32))


_loss = pl.pallas_call(
    _loss_body,
    grid=(1,),
    in_specs=[
        pl.BlockSpec((B // 128, 128), lambda i: (0, 0)),
        pl.BlockSpec((B // 128, 128), lambda i: (0, 0)),
        pl.BlockSpec((H, 2), lambda i: (0, 0)),
        pl.BlockSpec((1, H), lambda i: (0, 0)),
        pl.BlockSpec((1, 2), lambda i: (0, 0)),
    ],
    out_specs=[
        pl.BlockSpec((1, 1), lambda i: (0, 0), memory_space=pltpu.SMEM),
        pl.BlockSpec((1, 1), lambda i: (0, 0), memory_space=pltpu.SMEM),
    ],
    out_shape=[
        jax.ShapeDtypeStruct((1, 1), jnp.float32),
        jax.ShapeDtypeStruct((1, 1), jnp.int32),
    ],
)


def kernel(data_X, data_y, emb_table, W1, b1, W2, b2):
    u = _proj(emb_table.T, W1, W2).reshape(UPAD)
    sums = _sc_pool()(data_X.T, u)
    y2 = data_y.reshape(B // 128, 128)
    cost2, corr2 = _loss(y2, sums, W2, b1.reshape(1, H), b2.reshape(1, 2))
    return cost2[0, 0], corr2[0, 0]

# --- scband reference (transcript-rebuilt; emitter-appended) ---
"""Pipeline reference for scband-model-90615220011642 (READ-ONLY COPY).

The authoritative reference and input builder live on the scoring server;
editing this copy changes nothing except your own understanding.
"""

import jax, jax.numpy as jnp
import numpy as np

VOCAB = 1000000
EMBED_DIM = 64
HIDDEN = 256
BATCH = 16384
HIST = 50


def setup_inputs(seed: int = 0) -> dict:
    key = jax.random.key(seed)
    k1, k2, k3, k4, k5, k6, k7 = jax.random.split(key, 7)
    data_X = jax.random.randint(k1, (BATCH, HIST), 0, VOCAB, dtype=jnp.int32)
    data_y = jax.random.randint(k2, (BATCH,), 0, 2, dtype=jnp.int32)
    emb_table = jax.random.normal(k3, (VOCAB, EMBED_DIM), dtype=jnp.float32)
    W1 = jax.random.normal(k4, (EMBED_DIM, HIDDEN), dtype=jnp.float32) * (1.0 / np.sqrt(EMBED_DIM))
    b1 = jnp.zeros((HIDDEN,), dtype=jnp.float32)
    W2 = jax.random.normal(k5, (HIDDEN, 2), dtype=jnp.float32) * (1.0 / np.sqrt(HIDDEN))
    b2 = jnp.zeros((2,), dtype=jnp.float32)
    return {"data_X": data_X, "data_y": data_y, "emb_table": emb_table,
            "W1": W1, "b1": b1, "W2": W2, "b2": b2}


def reference(data_X, data_y, emb_table, W1, b1, W2, b2):
    # embedding lookup (gather)
    word_embeddings = jnp.take(emb_table, data_X, axis=0)  # [B, L, D]
    # dropout p=0.0 -> identity (eval-faithful)
    av = jnp.mean(word_embeddings, axis=1)  # [B, D]
    h1 = av @ W1 + b1  # [B, HIDDEN]
    h2 = h1 @ W2 + b2  # [B, 2]
    predict_labels = jnp.argmax(h2, axis=-1)
    # cross-entropy with mean reduction
    logZ = jax.scipy.special.logsumexp(h2, axis=-1)
    true_logit = jnp.take_along_axis(h2, data_y[:, None].astype(jnp.int32), axis=-1)[:, 0]
    cost = jnp.mean(logZ - true_logit)
    correct_num = jnp.sum(predict_labels == data_y)
    return (cost, correct_num)

if __name__ == "__main__":
    import jax
    _d = setup_inputs()
    print(jax.jit(kernel)(*tuple(_d.values())))

</pallas_src>

<mosaic_0001>
#map = affine_map<(d0, d1) -> (0, 0)>
#map1 = affine_map<(d0, d1) -> (0)>
module attributes {stable_mosaic.version = 14 : i64} {
  func.func @_sc_pool_body(%arg0: i32, %arg1: i32, %arg2: memref<50x16384xi32, #tpu.memory_space<hbm>>, %arg3: memref<1015808xf32, #tpu.memory_space<hbm>>, %arg4: memref<128x128xf32, #tpu.memory_space<hbm>>, %arg5: memref<200x128xi32, #tpu.memory_space<vmem>>, %arg6: memref<200x128xf32, #tpu.memory_space<vmem>>, %arg7: memref<4x128xf32, #tpu.memory_space<vmem>>, %arg8: memref<!tpu.dma_semaphore, #tpu.memory_space<semaphore_mem>>) attributes {dimension_semantics = [#tpu.dimension_semantics<core_parallel>, #tpu.dimension_semantics<subcore_parallel>], iteration_bounds = array<i64: 2, 16>, scalar_prefetch = 0 : i64, scratch_operands = 4 : i64, tpu.core_type = #tpu.core_type<sc_vector_subcore>, window_params = [{transform_indices = #map}, {transform_indices = #map1}, {transform_indices = #map}]} {
    %mul3A = arith.constant 2 : i32
    %mul3A_0 = arith.muli %arg1, %mul3A : i32
    %add3A = arith.addi %mul3A_0, %arg0 : i32
    %mul3A_1 = arith.constant 512 : i32
    %mul3A_2 = arith.muli %add3A, %mul3A_1 : i32
    %add3A_3 = arith.constant 0 : i32
    %add3A_4 = arith.addi %mul3A_2, %add3A_3 : i32
    "tpu.region"() ({
      %run_scoped3A = tpu.sem_alloc : memref<!tpu.dma_semaphore, #tpu.memory_space<semaphore_mem>>
      %dma_start3A = arith.constant 0 : i32
      %dma_start3A_36 = arith.constant 0 : i32
      %dma_start3A_37 = tpu.memref_slice %arg5[%dma_start3A, %dma_start3A_36] : memref<200x128xi32, #tpu.memory_space<vmem>> -> memref<50x128xi32, #tpu.memory_space<vmem>>
      %dma_start3A_38 = arith.constant 0 : i32
      %dma_start3A_39 = tpu.memref_slice %arg2[%dma_start3A_38, %add3A_4] : memref<50x16384xi32, #tpu.memory_space<hbm>> -> memref<50x128xi32, #tpu.memory_space<hbm>>
      %dma_start3A_40 = arith.constant 0 : i32
      %dma_start3A_41 = arith.constant 0 : i32
      %dma_start3A_42 = tpu.memref_slice %arg5[%dma_start3A_40, %dma_start3A_41] : memref<200x128xi32, #tpu.memory_space<vmem>> -> memref<50x128xi32, #tpu.memory_space<vmem>>
      %dma_start3A_43 = arith.constant 0 : i32
      %dma_start3A_44 = tpu.memref_slice %arg2[%dma_start3A_43, %add3A_4] : memref<50x16384xi32, #tpu.memory_space<hbm>> -> memref<50x128xi32, #tpu.memory_space<hbm>>
      tpu.enqueue_dma source(%dma_start3A_44 : memref<50x128xi32, #tpu.memory_space<hbm>>) target(%dma_start3A_42 : memref<50x128xi32, #tpu.memory_space<vmem>>) target_semaphore(%run_scoped3A : memref<!tpu.dma_semaphore, #tpu.memory_space<semaphore_mem>>)
      %dma_wait3A = arith.constant 0 : i32
      %dma_wait3A_45 = arith.constant 0 : i32
      %dma_wait3A_46 = tpu.memref_slice %arg5[%dma_wait3A, %dma_wait3A_45] : memref<200x128xi32, #tpu.memory_space<vmem>> -> memref<50x128xi32, #tpu.memory_space<vmem>>
      %dma_wait3A_47 = arith.constant 0 : i32
      %dma_wait3A_48 = tpu.memref_slice %arg2[%dma_wait3A_47, %add3A_4] : memref<50x16384xi32, #tpu.memory_space<hbm>> -> memref<50x128xi32, #tpu.memory_space<hbm>>
      %dma_wait3A_49 = arith.constant 0 : i32
      %dma_wait3A_50 = arith.constant 0 : i32
      %dma_wait3A_51 = tpu.memref_slice %arg5[%dma_wait3A_49, %dma_wait3A_50] : memref<200x128xi32, #tpu.memory_space<vmem>> -> memref<50x128xi32, #tpu.memory_space<vmem>>
      %dma_wait3A_52 = arith.constant 0 : i32
      %dma_wait3A_53 = tpu.memref_slice %arg2[%dma_wait3A_52, %add3A_4] : memref<50x16384xi32, #tpu.memory_space<hbm>> -> memref<50x128xi32, #tpu.memory_space<hbm>>
      tpu.wait_dma2 semaphore(%run_scoped3A : memref<!tpu.dma_semaphore, #tpu.memory_space<semaphore_mem>>) src(%dma_wait3A_53 : memref<50x128xi32, #tpu.memory_space<hbm>>) dst(%dma_wait3A_51 : memref<50x128xi32, #tpu.memory_space<vmem>>)
      tpu.yield
    }) : () -> ()
    %mul3A_5 = arith.constant 512 : i32
    %mul3A_6 = arith.muli %add3A, %mul3A_5 : i32
    %add3A_7 = arith.constant 128 : i32
    %add3A_8 = arith.addi %mul3A_6, %add3A_7 : i32
    "tpu.region"() ({
      %run_scoped3A = tpu.sem_alloc : memref<!tpu.dma_semaphore, #tpu.memory_space<semaphore_mem>>
      %dma_start3A = arith.constant 50 : i32
      %dma_start3A_36 = arith.constant 0 : i32
      %dma_start3A_37 = tpu.memref_slice %arg5[%dma_start3A, %dma_start3A_36] : memref<200x128xi32, #tpu.memory_space<vmem>> -> memref<50x128xi32, #tpu.memory_space<vmem>>
      %dma_start3A_38 = arith.constant 0 : i32
      %dma_start3A_39 = tpu.memref_slice %arg2[%dma_start3A_38, %add3A_8] : memref<50x16384xi32, #tpu.memory_space<hbm>> -> memref<50x128xi32, #tpu.memory_space<hbm>>
      %dma_start3A_40 = arith.constant 50 : i32
      %dma_start3A_41 = arith.constant 0 : i32
      %dma_start3A_42 = tpu.memref_slice %arg5[%dma_start3A_40, %dma_start3A_41] : memref<200x128xi32, #tpu.memory_space<vmem>> -> memref<50x128xi32, #tpu.memory_space<vmem>>
      %dma_start3A_43 = arith.constant 0 : i32
      %dma_start3A_44 = tpu.memref_slice %arg2[%dma_start3A_43, %add3A_8] : memref<50x16384xi32, #tpu.memory_space<hbm>> -> memref<50x128xi32, #tpu.memory_space<hbm>>
      tpu.enqueue_dma source(%dma_start3A_44 : memref<50x128xi32, #tpu.memory_space<hbm>>) target(%dma_start3A_42 : memref<50x128xi32, #tpu.memory_space<vmem>>) target_semaphore(%run_scoped3A : memref<!tpu.dma_semaphore, #tpu.memory_space<semaphore_mem>>)
      %dma_wait3A = arith.constant 50 : i32
      %dma_wait3A_45 = arith.constant 0 : i32
      %dma_wait3A_46 = tpu.memref_slice %arg5[%dma_wait3A, %dma_wait3A_45] : memref<200x128xi32, #tpu.memory_space<vmem>> -> memref<50x128xi32, #tpu.memory_space<vmem>>
      %dma_wait3A_47 = arith.constant 0 : i32
      %dma_wait3A_48 = tpu.memref_slice %arg2[%dma_wait3A_47, %add3A_8] : memref<50x16384xi32, #tpu.memory_space<hbm>> -> memref<50x128xi32, #tpu.memory_space<hbm>>
      %dma_wait3A_49 = arith.constant 50 : i32
      %dma_wait3A_50 = arith.constant 0 : i32
      %dma_wait3A_51 = tpu.memref_slice %arg5[%dma_wait3A_49, %dma_wait3A_50] : memref<200x128xi32, #tpu.memory_space<vmem>> -> memref<50x128xi32, #tpu.memory_space<vmem>>
      %dma_wait3A_52 = arith.constant 0 : i32
      %dma_wait3A_53 = tpu.memref_slice %arg2[%dma_wait3A_52, %add3A_8] : memref<50x16384xi32, #tpu.memory_space<hbm>> -> memref<50x128xi32, #tpu.memory_space<hbm>>
      tpu.wait_dma2 semaphore(%run_scoped3A : memref<!tpu.dma_semaphore, #tpu.memory_space<semaphore_mem>>) src(%dma_wait3A_53 : memref<50x128xi32, #tpu.memory_space<hbm>>) dst(%dma_wait3A_51 : memref<50x128xi32, #tpu.memory_space<vmem>>)
      tpu.yield
    }) : () -> ()
    %mul3A_9 = arith.constant 512 : i32
    %mul3A_10 = arith.muli %add3A, %mul3A_9 : i32
    %add3A_11 = arith.constant 256 : i32
    %add3A_12 = arith.addi %mul3A_10, %add3A_11 : i32
    "tpu.region"() ({
      %run_scoped3A = tpu.sem_alloc : memref<!tpu.dma_semaphore, #tpu.memory_space<semaphore_mem>>
      %dma_start3A = arith.constant 100 : i32
      %dma_start3A_36 = arith.constant 0 : i32
      %dma_start3A_37 = tpu.memref_slice %arg5[%dma_start3A, %dma_start3A_36] : memref<200x128xi32, #tpu.memory_space<vmem>> -> memref<50x128xi32, #tpu.memory_space<vmem>>
      %dma_start3A_38 = arith.constant 0 : i32
      %dma_start3A_39 = tpu.memref_slice %arg2[%dma_start3A_38, %add3A_12] : memref<50x16384xi32, #tpu.memory_space<hbm>> -> memref<50x128xi32, #tpu.memory_space<hbm>>
      %dma_start3A_40 = arith.constant 100 : i32
      %dma_start3A_41 = arith.constant 0 : i32
      %dma_start3A_42 = tpu.memref_slice %arg5[%dma_start3A_40, %dma_start3A_41] : memref<200x128xi32, #tpu.memory_space<vmem>> -> memref<50x128xi32, #tpu.memory_space<vmem>>
      %dma_start3A_43 = arith.constant 0 : i32
      %dma_start3A_44 = tpu.memref_slice %arg2[%dma_start3A_43, %add3A_12] : memref<50x16384xi32, #tpu.memory_space<hbm>> -> memref<50x128xi32, #tpu.memory_space<hbm>>
      tpu.enqueue_dma source(%dma_start3A_44 : memref<50x128xi32, #tpu.memory_space<hbm>>) target(%dma_start3A_42 : memref<50x128xi32, #tpu.memory_space<vmem>>) target_semaphore(%run_scoped3A : memref<!tpu.dma_semaphore, #tpu.memory_space<semaphore_mem>>)
      %dma_wait3A = arith.constant 100 : i32
      %dma_wait3A_45 = arith.constant 0 : i32
      %dma_wait3A_46 = tpu.memref_slice %arg5[%dma_wait3A, %dma_wait3A_45] : memref<200x128xi32, #tpu.memory_space<vmem>> -> memref<50x128xi32, #tpu.memory_space<vmem>>
      %dma_wait3A_47 = arith.constant 0 : i32
      %dma_wait3A_48 = tpu.memref_slice %arg2[%dma_wait3A_47, %add3A_12] : memref<50x16384xi32, #tpu.memory_space<hbm>> -> memref<50x128xi32, #tpu.memory_space<hbm>>
      %dma_wait3A_49 = arith.constant 100 : i32
      %dma_wait3A_50 = arith.constant 0 : i32
      %dma_wait3A_51 = tpu.memref_slice %arg5[%dma_wait3A_49, %dma_wait3A_50] : memref<200x128xi32, #tpu.memory_space<vmem>> -> memref<50x128xi32, #tpu.memory_space<vmem>>
      %dma_wait3A_52 = arith.constant 0 : i32
      %dma_wait3A_53 = tpu.memref_slice %arg2[%dma_wait3A_52, %add3A_12] : memref<50x16384xi32, #tpu.memory_space<hbm>> -> memref<50x128xi32, #tpu.memory_space<hbm>>
      tpu.wait_dma2 semaphore(%run_scoped3A : memref<!tpu.dma_semaphore, #tpu.memory_space<semaphore_mem>>) src(%dma_wait3A_53 : memref<50x128xi32, #tpu.memory_space<hbm>>) dst(%dma_wait3A_51 : memref<50x128xi32, #tpu.memory_space<vmem>>)
      tpu.yield
    }) : () -> ()
    %mul3A_13 = arith.constant 512 : i32
    %mul3A_14 = arith.muli %add3A, %mul3A_13 : i32
    %add3A_15 = arith.constant 384 : i32
    %add3A_16 = arith.addi %mul3A_14, %add3A_15 : i32
    "tpu.region"() ({
      %run_scoped3A = tpu.sem_alloc : memref<!tpu.dma_semaphore, #tpu.memory_space<semaphore_mem>>
      %dma_start3A = arith.constant 150 : i32
      %dma_start3A_36 = arith.constant 0 : i32
      %dma_start3A_37 = tpu.memref_slice %arg5[%dma_start3A, %dma_start3A_36] : memref<200x128xi32, #tpu.memory_space<vmem>> -> memref<50x128xi32, #tpu.memory_space<vmem>>
      %dma_start3A_38 = arith.constant 0 : i32
      %dma_start3A_39 = tpu.memref_slice %arg2[%dma_start3A_38, %add3A_16] : memref<50x16384xi32, #tpu.memory_space<hbm>> -> memref<50x128xi32, #tpu.memory_space<hbm>>
      %dma_start3A_40 = arith.constant 150 : i32
      %dma_start3A_41 = arith.constant 0 : i32
      %dma_start3A_42 = tpu.memref_slice %arg5[%dma_start3A_40, %dma_start3A_41] : memref<200x128xi32, #tpu.memory_space<vmem>> -> memref<50x128xi32, #tpu.memory_space<vmem>>
      %dma_start3A_43 = arith.constant 0 : i32
      %dma_start3A_44 = tpu.memref_slice %arg2[%dma_start3A_43, %add3A_16] : memref<50x16384xi32, #tpu.memory_space<hbm>> -> memref<50x128xi32, #tpu.memory_space<hbm>>
      tpu.enqueue_dma source(%dma_start3A_44 : memref<50x128xi32, #tpu.memory_space<hbm>>) target(%dma_start3A_42 : memref<50x128xi32, #tpu.memory_space<vmem>>) target_semaphore(%run_scoped3A : memref<!tpu.dma_semaphore, #tpu.memory_space<semaphore_mem>>)
      %dma_wait3A = arith.constant 150 : i32
      %dma_wait3A_45 = arith.constant 0 : i32
      %dma_wait3A_46 = tpu.memref_slice %arg5[%dma_wait3A, %dma_wait3A_45] : memref<200x128xi32, #tpu.memory_space<vmem>> -> memref<50x128xi32, #tpu.memory_space<vmem>>
      %dma_wait3A_47 = arith.constant 0 : i32
      %dma_wait3A_48 = tpu.memref_slice %arg2[%dma_wait3A_47, %add3A_16] : memref<50x16384xi32, #tpu.memory_space<hbm>> -> memref<50x128xi32, #tpu.memory_space<hbm>>
      %dma_wait3A_49 = arith.constant 150 : i32
      %dma_wait3A_50 = arith.constant 0 : i32
      %dma_wait3A_51 = tpu.memref_slice %arg5[%dma_wait3A_49, %dma_wait3A_50] : memref<200x128xi32, #tpu.memory_space<vmem>> -> memref<50x128xi32, #tpu.memory_space<vmem>>
      %dma_wait3A_52 = arith.constant 0 : i32
      %dma_wait3A_53 = tpu.memref_slice %arg2[%dma_wait3A_52, %add3A_16] : memref<50x16384xi32, #tpu.memory_space<hbm>> -> memref<50x128xi32, #tpu.memory_space<hbm>>
      tpu.wait_dma2 semaphore(%run_scoped3A : memref<!tpu.dma_semaphore, #tpu.memory_space<semaphore_mem>>) src(%dma_wait3A_53 : memref<50x128xi32, #tpu.memory_space<hbm>>) dst(%dma_wait3A_51 : memref<50x128xi32, #tpu.memory_space<vmem>>)
      tpu.yield
    }) : () -> ()
    %scan3A = arith.constant 0 : i32
    %scan3A_17 = arith.constant 0 : i32
    %scan3A_18 = arith.constant 200 : i32
    %scan3A_19 = arith.addi %scan3A_17, %scan3A_18 : i32
    %scan3A_20 = arith.constant 1 : i32
    scf.for %scan3A_36 = %scan3A_17 to %scan3A_19 step %scan3A_20  : i32 {
      %dma_start3A = arith.constant 0 : i32
      %dma_start3A_37 = tpu.memref_slice %arg6[%scan3A_36, %dma_start3A] : memref<200x128xf32, #tpu.memory_space<vmem>> -> memref<1x128xf32, #tpu.memory_space<vmem>>
      %dma_start3A_38 = tpu.memref_squeeze %dma_start3A_37 : memref<1x128xf32, #tpu.memory_space<vmem>> -> memref<128xf32, #tpu.memory_space<vmem>>
      %dma_start3A_39 = arith.constant 0 : i32
      %dma_start3A_40 = tpu.memref_slice %arg5[%scan3A_36, %dma_start3A_39] : memref<200x128xi32, #tpu.memory_space<vmem>> -> memref<1x128xi32, #tpu.memory_space<vmem>>
      %dma_start3A_41 = tpu.memref_squeeze %dma_start3A_40 : memref<1x128xi32, #tpu.memory_space<vmem>> -> memref<128xi32, #tpu.memory_space<vmem>>
      %dma_start3A_42 = arith.constant 0 : i32
      %dma_start3A_43 = tpu.memref_slice %arg3[%dma_start3A_42] : memref<1015808xf32, #tpu.memory_space<hbm>> -> memref<1015808xf32, #tpu.memory_space<hbm>>
      tpu.enqueue_indirect_dma source(%dma_start3A_43 : memref<1015808xf32, #tpu.memory_space<hbm>>) target(%dma_start3A_38 : memref<128xf32, #tpu.memory_space<vmem>>) offsets(%dma_start3A_41 : memref<128xi32, #tpu.memory_space<vmem>>) semaphore(%arg8 : memref<!tpu.dma_semaphore, #tpu.memory_space<semaphore_mem>>)
    }
    %scan3A_21 = arith.constant 200 : i32
    %scan3A_22 = arith.constant 0 : i32
    %scan3A_23 = arith.constant 0 : i32
    %scan3A_24 = arith.constant 200 : i32
    %scan3A_25 = arith.addi %scan3A_23, %scan3A_24 : i32
    %scan3A_26 = arith.constant 1 : i32
    scf.for %scan3A_36 = %scan3A_23 to %scan3A_25 step %scan3A_26  : i32 {
      %dma_wait3A = arith.constant 0 : i32
      %dma_wait3A_37 = tpu.memref_slice %arg6[%scan3A_36, %dma_wait3A] : memref<200x128xf32, #tpu.memory_space<vmem>> -> memref<1x128xf32, #tpu.memory_space<vmem>>
      %dma_wait3A_38 = tpu.memref_squeeze %dma_wait3A_37 : memref<1x128xf32, #tpu.memory_space<vmem>> -> memref<128xf32, #tpu.memory_space<vmem>>
      %dma_wait3A_39 = arith.constant 0 : i32
      %dma_wait3A_40 = tpu.memref_slice %arg5[%scan3A_36, %dma_wait3A_39] : memref<200x128xi32, #tpu.memory_space<vmem>> -> memref<1x128xi32, #tpu.memory_space<vmem>>
      %dma_wait3A_41 = tpu.memref_squeeze %dma_wait3A_40 : memref<1x128xi32, #tpu.memory_space<vmem>> -> memref<128xi32, #tpu.memory_space<vmem>>
      %dma_wait3A_42 = arith.constant 0 : i32
      %dma_wait3A_43 = tpu.memref_slice %arg3[%dma_wait3A_42] : memref<1015808xf32, #tpu.memory_space<hbm>> -> memref<1015808xf32, #tpu.memory_space<hbm>>
      tpu.wait_indirect_dma semaphore(%arg8 : memref<!tpu.dma_semaphore, #tpu.memory_space<semaphore_mem>>) src(%dma_wait3A_43 : memref<1015808xf32, #tpu.memory_space<hbm>>) dst(%dma_wait3A_38 : memref<128xf32, #tpu.memory_space<vmem>>)
    }
    %scan3A_27 = arith.constant 200 : i32
    %scan3A_28 = arith.constant 0 : i32
    %scan3A_29 = arith.constant 0 : i32
    %scan3A_30 = arith.constant 32 : i32
    %scan3A_31 = arith.addi %scan3A_29, %scan3A_30 : i32
    %scan3A_32 = arith.constant 1 : i32
    scf.for %scan3A_36 = %scan3A_29 to %scan3A_31 step %scan3A_32  : i32 {
      %jit3A = arith.constant 8 : i32
      %div3A = arith.divsi %scan3A_36, %jit3A : i32
      %sign3A = arith.constant 0 : i32
      %sign3A_37 = arith.cmpi sgt, %scan3A_36, %sign3A : i32
      %sign3A_38 = arith.extui %sign3A_37 : i1 to i32
      %sign3A_39 = arith.constant 0 : i32
      %sign3A_40 = arith.cmpi slt, %scan3A_36, %sign3A_39 : i32
      %sign3A_41 = arith.extui %sign3A_40 : i1 to i32
      %sign3A_42 = arith.subi %sign3A_38, %sign3A_41 : i32
      %sign3A_43 = arith.constant 0 : i32
      %sign3A_44 = arith.cmpi sgt, %jit3A, %sign3A_43 : i32
      %sign3A_45 = arith.extui %sign3A_44 : i1 to i32
      %sign3A_46 = arith.constant 0 : i32
      %sign3A_47 = arith.cmpi slt, %jit3A, %sign3A_46 : i32
      %sign3A_48 = arith.extui %sign3A_47 : i1 to i32
      %sign3A_49 = arith.subi %sign3A_45, %sign3A_48 : i32
      %ne3A = arith.cmpi ne, %sign3A_42, %sign3A_49 : i32
      %rem3A = arith.remsi %scan3A_36, %jit3A : i32
      %ne3A_50 = arith.constant 0 : i32
      %ne3A_51 = arith.cmpi ne, %rem3A, %ne3A_50 : i32
      %and3A = arith.andi %ne3A, %ne3A_51 : i1
      %sub3A = arith.constant 1 : i32
      %sub3A_52 = arith.subi %div3A, %sub3A : i32
      %select_n3A = arith.select %and3A, %sub3A_52, %div3A : i32
      %jit3A_53 = arith.constant 8 : i32
      %eq3A = arith.constant 0 : i32
      %eq3A_54 = arith.cmpi eq, %jit3A_53, %eq3A : i32
      %jit3A_55 = arith.constant 1 : i32
      %select_n3A_56 = arith.select %eq3A_54, %jit3A_55, %jit3A_53 : i32
      %rem3A_57 = arith.remsi %scan3A_36, %select_n3A_56 : i32
      %ne3A_58 = arith.constant 0 : i32
      %ne3A_59 = arith.cmpi ne, %rem3A_57, %ne3A_58 : i32
      %lt3A = arith.constant 0 : i32
      %lt3A_60 = arith.cmpi slt, %rem3A_57, %lt3A : i32
      %lt3A_61 = arith.constant 0 : i32
      %lt3A_62 = arith.cmpi slt, %select_n3A_56, %lt3A_61 : i32
      %ne3A_63 = arith.xori %lt3A_60, %lt3A_62 : i1
      %and3A_64 = arith.andi %ne3A_63, %ne3A_59 : i1
      %add3A_65 = arith.addi %rem3A_57, %select_n3A_56 : i32
      %select_n3A_66 = arith.select %and3A_64, %add3A_65, %rem3A_57 : i32
      %mul3A_67 = arith.constant 16 : i32
      %mul3A_68 = arith.muli %select_n3A_66, %mul3A_67 : i32
      %mul3A_69 = arith.constant 50 : i32
      %mul3A_70 = arith.muli %select_n3A, %mul3A_69 : i32
      %get3A = arith.index_cast %mul3A_70 : i32 to index
      %get3A_71 = arith.index_cast %mul3A_68 : i32 to index
      %get3A_72 = tpu.vector_load %arg6[%get3A, %get3A_71] {strides = array<i32>} : memref<200x128xf32, #tpu.memory_space<vmem>>, vector<1x16xf32>,
      %get3A_73 = vector.shape_cast %get3A_72 : vector<1x16xf32> to vector<16xf32>
      %add3A_74 = arith.constant 1 : i32
      %add3A_75 = arith.addi %mul3A_70, %add3A_74 : i32
      %get3A_76 = arith.index_cast %add3A_75 : i32 to index
      %get3A_77 = arith.index_cast %mul3A_68 : i32 to index
      %get3A_78 = tpu.vector_load %arg6[%get3A_76, %get3A_77] {strides = array<i32>} : memref<200x128xf32, #tpu.memory_space<vmem>>, vector<1x16xf32>,
      %get3A_79 = vector.shape_cast %get3A_78 : vector<1x16xf32> to vector<16xf32>
      %add3A_80 = arith.addf %get3A_73, %get3A_79 : vector<16xf32>
      %add3A_81 = arith.constant 2 : i32
      %add3A_82 = arith.addi %mul3A_70, %add3A_81 : i32
      %get3A_83 = arith.index_cast %add3A_82 : i32 to index
      %get3A_84 = arith.index_cast %mul3A_68 : i32 to index
      %get3A_85 = tpu.vector_load %arg6[%get3A_83, %get3A_84] {strides = array<i32>} : memref<200x128xf32, #tpu.memory_space<vmem>>, vector<1x16xf32>,
      %get3A_86 = vector.shape_cast %get3A_85 : vector<1x16xf32> to vector<16xf32>
      %add3A_87 = arith.addf %add3A_80, %get3A_86 : vector<16xf32>
      %add3A_88 = arith.constant 3 : i32
      %add3A_89 = arith.addi %mul3A_70, %add3A_88 : i32
      %get3A_90 = arith.index_cast %add3A_89 : i32 to index
      %get3A_91 = arith.index_cast %mul3A_68 : i32 to index
      %get3A_92 = tpu.vector_load %arg6[%get3A_90, %get3A_91] {strides = array<i32>} : memref<200x128xf32, #tpu.memory_space<vmem>>, vector<1x16xf32>,
      %get3A_93 = vector.shape_cast %get3A_92 : vector<1x16xf32> to vector<16xf32>
      %add3A_94 = arith.addf %add3A_87, %get3A_93 : vector<16xf32>
      %add3A_95 = arith.constant 4 : i32
      %add3A_96 = arith.addi %mul3A_70, %add3A_95 : i32
      %get3A_97 = arith.index_cast %add3A_96 : i32 to index
      %get3A_98 = arith.index_cast %mul3A_68 : i32 to index
      %get3A_99 = tpu.vector_load %arg6[%get3A_97, %get3A_98] {strides = array<i32>} : memref<200x128xf32, #tpu.memory_space<vmem>>, vector<1x16xf32>,
      %get3A_100 = vector.shape_cast %get3A_99 : vector<1x16xf32> to vector<16xf32>
      %add3A_101 = arith.addf %add3A_94, %get3A_100 : vector<16xf32>
      %add3A_102 = arith.constant 5 : i32
      %add3A_103 = arith.addi %mul3A_70, %add3A_102 : i32
      %get3A_104 = arith.index_cast %add3A_103 : i32 to index
      %get3A_105 = arith.index_cast %mul3A_68 : i32 to index
      %get3A_106 = tpu.vector_load %arg6[%get3A_104, %get3A_105] {strides = array<i32>} : memref<200x128xf32, #tpu.memory_space<vmem>>, vector<1x16xf32>,
      %get3A_107 = vector.shape_cast %get3A_106 : vector<1x16xf32> to vector<16xf32>
      %add3A_108 = arith.addf %add3A_101, %get3A_107 : vector<16xf32>
      %add3A_109 = arith.constant 6 : i32
      %add3A_110 = arith.addi %mul3A_70, %add3A_109 : i32
      %get3A_111 = arith.index_cast %add3A_110 : i32 to index
      %get3A_112 = arith.index_cast %mul3A_68 : i32 to index
      %get3A_113 = tpu.vector_load %arg6[%get3A_111, %get3A_112] {strides = array<i32>} : memref<200x128xf32, #tpu.memory_space<vmem>>, vector<1x16xf32>,
      %get3A_114 = vector.shape_cast %get3A_113 : vector<1x16xf32> to vector<16xf32>
      %add3A_115 = arith.addf %add3A_108, %get3A_114 : vector<16xf32>
      %add3A_116 = arith.constant 7 : i32
      %add3A_117 = arith.addi %mul3A_70, %add3A_116 : i32
      %get3A_118 = arith.index_cast %add3A_117 : i32 to index
      %get3A_119 = arith.index_cast %mul3A_68 : i32 to index
      %get3A_120 = tpu.vector_load %arg6[%get3A_118, %get3A_119] {strides = array<i32>} : memref<200x128xf32, #tpu.memory_space<vmem>>, vector<1x16xf32>,
      %get3A_121 = vector.shape_cast %get3A_120 : vector<1x16xf32> to vector<16xf32>
      %add3A_122 = arith.addf %add3A_115, %get3A_121 : vector<16xf32>
      %add3A_123 = arith.constant 8 : i32
      %add3A_124 = arith.addi %mul3A_70, %add3A_123 : i32
      %get3A_125 = arith.index_cast %add3A_124 : i32 to index
      %get3A_126 = arith.index_cast %mul3A_68 : i32 to index
      %get3A_127 = tpu.vector_load %arg6[%get3A_125, %get3A_126] {strides = array<i32>} : memref<200x128xf32, #tpu.memory_space<vmem>>, vector<1x16xf32>,
      %get3A_128 = vector.shape_cast %get3A_127 : vector<1x16xf32> to vector<16xf32>
      %add3A_129 = arith.addf %add3A_122, %get3A_128 : vector<16xf32>
      %add3A_130 = arith.constant 9 : i32
      %add3A_131 = arith.addi %mul3A_70, %add3A_130 : i32
      %get3A_132 = arith.index_cast %add3A_131 : i32 to index
      %get3A_133 = arith.index_cast %mul3A_68 : i32 to index
      %get3A_134 = tpu.vector_load %arg6[%get3A_132, %get3A_133] {strides = array<i32>} : memref<200x128xf32, #tpu.memory_space<vmem>>, vector<1x16xf32>,
      %get3A_135 = vector.shape_cast %get3A_134 : vector<1x16xf32> to vector<16xf32>
      %add3A_136 = arith.addf %add3A_129, %get3A_135 : vector<16xf32>
      %add3A_137 = arith.constant 10 : i32
      %add3A_138 = arith.addi %mul3A_70, %add3A_137 : i32
      %get3A_139 = arith.index_cast %add3A_138 : i32 to index
      %get3A_140 = arith.index_cast %mul3A_68 : i32 to index
      %get3A_141 = tpu.vector_load %arg6[%get3A_139, %get3A_140] {strides = array<i32>} : memref<200x128xf32, #tpu.memory_space<vmem>>, vector<1x16xf32>,
      %get3A_142 = vector.shape_cast %get3A_141 : vector<1x16xf32> to vector<16xf32>
      %add3A_143 = arith.addf %add3A_136, %get3A_142 : vector<16xf32>
      %add3A_144 = arith.constant 11 : i32
      %add3A_145 = arith.addi %mul3A_70, %add3A_144 : i32
      %get3A_146 = arith.index_cast %add3A_145 : i32 to index
      %get3A_147 = arith.index_cast %mul3A_68 : i32 to index
      %get3A_148 = tpu.vector_load %arg6[%get3A_146, %get3A_147] {strides = array<i32>} : memref<200x128xf32, #tpu.memory_space<vmem>>, vector<1x16xf32>,
      %get3A_149 = vector.shape_cast %get3A_148 : vector<1x16xf32> to vector<16xf32>
      %add3A_150 = arith.addf %add3A_143, %get3A_149 : vector<16xf32>
      %add3A_151 = arith.constant 12 : i32
      %add3A_152 = arith.addi %mul3A_70, %add3A_151 : i32
      %get3A_153 = arith.index_cast %add3A_152 : i32 to index
      %get3A_154 = arith.index_cast %mul3A_68 : i32 to index
      %get3A_155 = tpu.vector_load %arg6[%get3A_153, %get3A_154] {strides = array<i32>} : memref<200x128xf32, #tpu.memory_space<vmem>>, vector<1x16xf32>,
      %get3A_156 = vector.shape_cast %get3A_155 : vector<1x16xf32> to vector<16xf32>
      %add3A_157 = arith.addf %add3A_150, %get3A_156 : vector<16xf32>
      %add3A_158 = arith.constant 13 : i32
      %add3A_159 = arith.addi %mul3A_70, %add3A_158 : i32
      %get3A_160 = arith.index_cast %add3A_159 : i32 to index
      %get3A_161 = arith.index_cast %mul3A_68 : i32 to index
      %get3A_162 = tpu.vector_load %arg6[%get3A_160, %get3A_161] {strides = array<i32>} : memref<200x128xf32, #tpu.memory_space<vmem>>, vector<1x16xf32>,
      %get3A_163 = vector.shape_cast %get3A_162 : vector<1x16xf32> to vector<16xf32>
      %add3A_164 = arith.addf %add3A_157, %get3A_163 : vector<16xf32>
      %add3A_165 = arith.constant 14 : i32
      %add3A_166 = arith.addi %mul3A_70, %add3A_165 : i32
      %get3A_167 = arith.index_cast %add3A_166 : i32 to index
      %get3A_168 = arith.index_cast %mul3A_68 : i32 to index
      %get3A_169 = tpu.vector_load %arg6[%get3A_167, %get3A_168] {strides = array<i32>} : memref<200x128xf32, #tpu.memory_space<vmem>>, vector<1x16xf32>,
      %get3A_170 = vector.shape_cast %get3A_169 : vector<1x16xf32> to vector<16xf32>
      %add3A_171 = arith.addf %add3A_164, %get3A_170 : vector<16xf32>
      %add3A_172 = arith.constant 15 : i32
      %add3A_173 = arith.addi %mul3A_70, %add3A_172 : i32
      %get3A_174 = arith.index_cast %add3A_173 : i32 to index
      %get3A_175 = arith.index_cast %mul3A_68 : i32 to index
      %get3A_176 = tpu.vector_load %arg6[%get3A_174, %get3A_175] {strides = array<i32>} : memref<200x128xf32, #tpu.memory_space<vmem>>, vector<1x16xf32>,
      %get3A_177 = vector.shape_cast %get3A_176 : vector<1x16xf32> to vector<16xf32>
      %add3A_178 = arith.addf %add3A_171, %get3A_177 : vector<16xf32>
      %add3A_179 = arith.constant 16 : i32
      %add3A_180 = arith.addi %mul3A_70, %add3A_179 : i32
      %get3A_181 = arith.index_cast %add3A_180 : i32 to index
      %get3A_182 = arith.index_cast %mul3A_68 : i32 to index
      %get3A_183 = tpu.vector_load %arg6[%get3A_181, %get3A_182] {strides = array<i32>} : memref<200x128xf32, #tpu.memory_space<vmem>>, vector<1x16xf32>,
      %get3A_184 = vector.shape_cast %get3A_183 : vector<1x16xf32> to vector<16xf32>
      %add3A_185 = arith.addf %add3A_178, %get3A_184 : vector<16xf32>
      %add3A_186 = arith.constant 17 : i32
      %add3A_187 = arith.addi %mul3A_70, %add3A_186 : i32
      %get3A_188 = arith.index_cast %add3A_187 : i32 to index
      %get3A_189 = arith.index_cast %mul3A_68 : i32 to index
      %get3A_190 = tpu.vector_load %arg6[%get3A_188, %get3A_189] {strides = array<i32>} : memref<200x128xf32, #tpu.memory_space<vmem>>, vector<1x16xf32>,
      %get3A_191 = vector.shape_cast %get3A_190 : vector<1x16xf32> to vector<16xf32>
      %add3A_192 = arith.addf %add3A_185, %get3A_191 : vector<16xf32>
      %add3A_193 = arith.constant 18 : i32
      %add3A_194 = arith.addi %mul3A_70, %add3A_193 : i32
      %get3A_195 = arith.index_cast %add3A_194 : i32 to index
      %get3A_196 = arith.index_cast %mul3A_68 : i32 to index
      %get3A_197 = tpu.vector_load %arg6[%get3A_195, %get3A_196] {strides = array<i32>} : memref<200x128xf32, #tpu.memory_space<vmem>>, vector<1x16xf32>,
      %get3A_198 = vector.shape_cast %get3A_197 : vector<1x16xf32> to vector<16xf32>
      %add3A_199 = arith.addf %add3A_192, %get3A_198 : vector<16xf32>
      %add3A_200 = arith.constant 19 : i32
      %add3A_201 = arith.addi %mul3A_70, %add3A_200 : i32
      %get3A_202 = arith.index_cast %add3A_201 : i32 to index
      %get3A_203 = arith.index_cast %mul3A_68 : i32 to index
      %get3A_204 = tpu.vector_load %arg6[%get3A_202, %get3A_203] {strides = array<i32>} : memref<200x128xf32, #tpu.memory_space<vmem>>, vector<1x16xf32>,
      %get3A_205 = vector.shape_cast %get3A_204 : vector<1x16xf32> to vector<16xf32>
      %add3A_206 = arith.addf %add3A_199, %get3A_205 : vector<16xf32>
      %add3A_207 = arith.constant 20 : i32
      %add3A_208 = arith.addi %mul3A_70, %add3A_207 : i32
      %get3A_209 = arith.index_cast %add3A_208 : i32 to index
      %get3A_210 = arith.index_cast %mul3A_68 : i32 to index
      %get3A_211 = tpu.vector_load %arg6[%get3A_209, %get3A_210] {strides = array<i32>} : memref<200x128xf32, #tpu.memory_space<vmem>>, vector<1x16xf32>,
      %get3A_212 = vector.shape_cast %get3A_211 : vector<1x16xf32> to vector<16xf32>
      %add3A_213 = arith.addf %add3A_206, %get3A_212 : vector<16xf32>
      %add3A_214 = arith.constant 21 : i32
      %add3A_215 = arith.addi %mul3A_70, %add3A_214 : i32
      %get3A_216 = arith.index_cast %add3A_215 : i32 to index
      %get3A_217 = arith.index_cast %mul3A_68 : i32 to index
      %get3A_218 = tpu.vector_load %arg6[%get3A_216, %get3A_217] {strides = array<i32>} : memref<200x128xf32, #tpu.memory_space<vmem>>, vector<1x16xf32>,
      %get3A_219 = vector.shape_cast %get3A_218 : vector<1x16xf32> to vector<16xf32>
      %add3A_220 = arith.addf %add3A_213, %get3A_219 : vector<16xf32>
      %add3A_221 = arith.constant 22 : i32
      %add3A_222 = arith.addi %mul3A_70, %add3A_221 : i32
      %get3A_223 = arith.index_cast %add3A_222 : i32 to index
      %get3A_224 = arith.index_cast %mul3A_68 : i32 to index
      %get3A_225 = tpu.vector_load %arg6[%get3A_223, %get3A_224] {strides = array<i32>} : memref<200x128xf32, #tpu.memory_space<vmem>>, vector<1x16xf32>,
      %get3A_226 = vector.shape_cast %get3A_225 : vector<1x16xf32> to vector<16xf32>
      %add3A_227 = arith.addf %add3A_220, %get3A_226 : vector<16xf32>
      %add3A_228 = arith.constant 23 : i32
      %add3A_229 = arith.addi %mul3A_70, %add3A_228 : i32
      %get3A_230 = arith.index_cast %add3A_229 : i32 to index
      %get3A_231 = arith.index_cast %mul3A_68 : i32 to index
      %get3A_232 = tpu.vector_load %arg6[%get3A_230, %get3A_231] {strides = array<i32>} : memref<200x128xf32, #tpu.memory_space<vmem>>, vector<1x16xf32>,
      %get3A_233 = vector.shape_cast %get3A_232 : vector<1x16xf32> to vector<16xf32>
      %add3A_234 = arith.addf %add3A_227, %get3A_233 : vector<16xf32>
      %add3A_235 = arith.constant 24 : i32
      %add3A_236 = arith.addi %mul3A_70, %add3A_235 : i32
      %get3A_237 = arith.index_cast %add3A_236 : i32 to index
      %get3A_238 = arith.index_cast %mul3A_68 : i32 to index
      %get3A_239 = tpu.vector_load %arg6[%get3A_237, %get3A_238] {strides = array<i32>} : memref<200x128xf32, #tpu.memory_space<vmem>>, vector<1x16xf32>,
      %get3A_240 = vector.shape_cast %get3A_239 : vector<1x16xf32> to vector<16xf32>
      %add3A_241 = arith.addf %add3A_234, %get3A_240 : vector<16xf32>
      %add3A_242 = arith.constant 25 : i32
      %add3A_243 = arith.addi %mul3A_70, %add3A_242 : i32
      %get3A_244 = arith.index_cast %add3A_243 : i32 to index
      %get3A_245 = arith.index_cast %mul3A_68 : i32 to index
      %get3A_246 = tpu.vector_load %arg6[%get3A_244, %get3A_245] {strides = array<i32>} : memref<200x128xf32, #tpu.memory_space<vmem>>, vector<1x16xf32>,
      %get3A_247 = vector.shape_cast %get3A_246 : vector<1x16xf32> to vector<16xf32>
      %add3A_248 = arith.addf %add3A_241, %get3A_247 : vector<16xf32>
      %add3A_249 = arith.constant 26 : i32
      %add3A_250 = arith.addi %mul3A_70, %add3A_249 : i32
      %get3A_251 = arith.index_cast %add3A_250 : i32 to index
      %get3A_252 = arith.index_cast %mul3A_68 : i32 to index
      %get3A_253 = tpu.vector_load %arg6[%get3A_251, %get3A_252] {strides = array<i32>} : memref<200x128xf32, #tpu.memory_space<vmem>>, vector<1x16xf32>,
      %get3A_254 = vector.shape_cast %get3A_253 : vector<1x16xf32> to vector<16xf32>
      %add3A_255 = arith.addf %add3A_248, %get3A_254 : vector<16xf32>
      %add3A_256 = arith.constant 27 : i32
      %add3A_257 = arith.addi %mul3A_70, %add3A_256 : i32
      %get3A_258 = arith.index_cast %add3A_257 : i32 to index
      %get3A_259 = arith.index_cast %mul3A_68 : i32 to index
      %get3A_260 = tpu.vector_load %arg6[%get3A_258, %get3A_259] {strides = array<i32>} : memref<200x128xf32, #tpu.memory_space<vmem>>, vector<1x16xf32>,
      %get3A_261 = vector.shape_cast %get3A_260 : vector<1x16xf32> to vector<16xf32>
      %add3A_262 = arith.addf %add3A_255, %get3A_261 : vector<16xf32>
      %add3A_263 = arith.constant 28 : i32
      %add3A_264 = arith.addi %mul3A_70, %add3A_263 : i32
      %get3A_265 = arith.index_cast %add3A_264 : i32 to index
      %get3A_266 = arith.index_cast %mul3A_68 : i32 to index
      %get3A_267 = tpu.vector_load %arg6[%get3A_265, %get3A_266] {strides = array<i32>} : memref<200x128xf32, #tpu.memory_space<vmem>>, vector<1x16xf32>,
      %get3A_268 = vector.shape_cast %get3A_267 : vector<1x16xf32> to vector<16xf32>
      %add3A_269 = arith.addf %add3A_262, %get3A_268 : vector<16xf32>
      %add3A_270 = arith.constant 29 : i32
      %add3A_271 = arith.addi %mul3A_70, %add3A_270 : i32
      %get3A_272 = arith.index_cast %add3A_271 : i32 to index
      %get3A_273 = arith.index_cast %mul3A_68 : i32 to index
      %get3A_274 = tpu.vector_load %arg6[%get3A_272, %get3A_273] {strides = array<i32>} : memref<200x128xf32, #tpu.memory_space<vmem>>, vector<1x16xf32>,
      %get3A_275 = vector.shape_cast %get3A_274 : vector<1x16xf32> to vector<16xf32>
      %add3A_276 = arith.addf %add3A_269, %get3A_275 : vector<16xf32>
      %add3A_277 = arith.constant 30 : i32
      %add3A_278 = arith.addi %mul3A_70, %add3A_277 : i32
      %get3A_279 = arith.index_cast %add3A_278 : i32 to index
      %get3A_280 = arith.index_cast %mul3A_68 : i32 to index
      %get3A_281 = tpu.vector_load %arg6[%get3A_279, %get3A_280] {strides = array<i32>} : memref<200x128xf32, #tpu.memory_space<vmem>>, vector<1x16xf32>,
      %get3A_282 = vector.shape_cast %get3A_281 : vector<1x16xf32> to vector<16xf32>
      %add3A_283 = arith.addf %add3A_276, %get3A_282 : vector<16xf32>
      %add3A_284 = arith.constant 31 : i32
      %add3A_285 = arith.addi %mul3A_70, %add3A_284 : i32
      %get3A_286 = arith.index_cast %add3A_285 : i32 to index
      %get3A_287 = arith.index_cast %mul3A_68 : i32 to index
      %get3A_288 = tpu.vector_load %arg6[%get3A_286, %get3A_287] {strides = array<i32>} : memref<200x128xf32, #tpu.memory_space<vmem>>, vector<1x16xf32>,
      %get3A_289 = vector.shape_cast %get3A_288 : vector<1x16xf32> to vector<16xf32>
      %add3A_290 = arith.addf %add3A_283, %get3A_289 : vector<16xf32>
      %add3A_291 = arith.constant 32 : i32
      %add3A_292 = arith.addi %mul3A_70, %add3A_291 : i32
      %get3A_293 = arith.index_cast %add3A_292 : i32 to index
      %get3A_294 = arith.index_cast %mul3A_68 : i32 to index
      %get3A_295 = tpu.vector_load %arg6[%get3A_293, %get3A_294] {strides = array<i32>} : memref<200x128xf32, #tpu.memory_space<vmem>>, vector<1x16xf32>,
      %get3A_296 = vector.shape_cast %get3A_295 : vector<1x16xf32> to vector<16xf32>
      %add3A_297 = arith.addf %add3A_290, %get3A_296 : vector<16xf32>
      %add3A_298 = arith.constant 33 : i32
      %add3A_299 = arith.addi %mul3A_70, %add3A_298 : i32
      %get3A_300 = arith.index_cast %add3A_299 : i32 to index
      %get3A_301 = arith.index_cast %mul3A_68 : i32 to index
      %get3A_302 = tpu.vector_load %arg6[%get3A_300, %get3A_301] {strides = array<i32>} : memref<200x128xf32, #tpu.memory_space<vmem>>, vector<1x16xf32>,
      %get3A_303 = vector.shape_cast %get3A_302 : vector<1x16xf32> to vector<16xf32>
      %add3A_304 = arith.addf %add3A_297, %get3A_303 : vector<16xf32>
      %add3A_305 = arith.constant 34 : i32
      %add3A_306 = arith.addi %mul3A_70, %add3A_305 : i32
      %get3A_307 = arith.index_cast %add3A_306 : i32 to index
      %get3A_308 = arith.index_cast %mul3A_68 : i32 to index
      %get3A_309 = tpu.vector_load %arg6[%get3A_307, %get3A_308] {strides = array<i32>} : memref<200x128xf32, #tpu.memory_space<vmem>>, vector<1x16xf32>,
      %get3A_310 = vector.shape_cast %get3A_309 : vector<1x16xf32> to vector<16xf32>
      %add3A_311 = arith.addf %add3A_304, %get3A_310 : vector<16xf32>
      %add3A_312 = arith.constant 35 : i32
      %add3A_313 = arith.addi %mul3A_70, %add3A_312 : i32
      %get3A_314 = arith.index_cast %add3A_313 : i32 to index
      %get3A_315 = arith.index_cast %mul3A_68 : i32 to index
      %get3A_316 = tpu.vector_load %arg6[%get3A_314, %get3A_315] {strides = array<i32>} : memref<200x128xf32, #tpu.memory_space<vmem>>, vector<1x16xf32>,
      %get3A_317 = vector.shape_cast %get3A_316 : vector<1x16xf32> to vector<16xf32>
      %add3A_318 = arith.addf %add3A_311, %get3A_317 : vector<16xf32>
      %add3A_319 = arith.constant 36 : i32
      %add3A_320 = arith.addi %mul3A_70, %add3A_319 : i32
      %get3A_321 = arith.index_cast %add3A_320 : i32 to index
      %get3A_322 = arith.index_cast %mul3A_68 : i32 to index
      %get3A_323 = tpu.vector_load %arg6[%get3A_321, %get3A_322] {strides = array<i32>} : memref<200x128xf32, #tpu.memory_space<vmem>>, vector<1x16xf32>,
      %get3A_324 = vector.shape_cast %get3A_323 : vector<1x16xf32> to vector<16xf32>
      %add3A_325 = arith.addf %add3A_318, %get3A_324 : vector<16xf32>
      %add3A_326 = arith.constant 37 : i32
      %add3A_327 = arith.addi %mul3A_70, %add3A_326 : i32
      %get3A_328 = arith.index_cast %add3A_327 : i32 to index
      %get3A_329 = arith.index_cast %mul3A_68 : i32 to index
      %get3A_330 = tpu.vector_load %arg6[%get3A_328, %get3A_329] {strides = array<i32>} : memref<200x128xf32, #tpu.memory_space<vmem>>, vector<1x16xf32>,
      %get3A_331 = vector.shape_cast %get3A_330 : vector<1x16xf32> to vector<16xf32>
      %add3A_332 = arith.addf %add3A_325, %get3A_331 : vector<16xf32>
      %add3A_333 = arith.constant 38 : i32
      %add3A_334 = arith.addi %mul3A_70, %add3A_333 : i32
      %get3A_335 = arith.index_cast %add3A_334 : i32 to index
      %get3A_336 = arith.index_cast %mul3A_68 : i32 to index
      %get3A_337 = tpu.vector_load %arg6[%get3A_335, %get3A_336] {strides = array<i32>} : memref<200x128xf32, #tpu.memory_space<vmem>>, vector<1x16xf32>,
      %get3A_338 = vector.shape_cast %get3A_337 : vector<1x16xf32> to vector<16xf32>
      %add3A_339 = arith.addf %add3A_332, %get3A_338 : vector<16xf32>
      %add3A_340 = arith.constant 39 : i32
      %add3A_341 = arith.addi %mul3A_70, %add3A_340 : i32
      %get3A_342 = arith.index_cast %add3A_341 : i32 to index
      %get3A_343 = arith.index_cast %mul3A_68 : i32 to index
      %get3A_344 = tpu.vector_load %arg6[%get3A_342, %get3A_343] {strides = array<i32>} : memref<200x128xf32, #tpu.memory_space<vmem>>, vector<1x16xf32>,
      %get3A_345 = vector.shape_cast %get3A_344 : vector<1x16xf32> to vector<16xf32>
      %add3A_346 = arith.addf %add3A_339, %get3A_345 : vector<16xf32>
      %add3A_347 = arith.constant 40 : i32
      %add3A_348 = arith.addi %mul3A_70, %add3A_347 : i32
      %get3A_349 = arith.index_cast %add3A_348 : i32 to index
      %get3A_350 = arith.index_cast %mul3A_68 : i32 to index
      %get3A_351 = tpu.vector_load %arg6[%get3A_349, %get3A_350] {strides = array<i32>} : memref<200x128xf32, #tpu.memory_space<vmem>>, vector<1x16xf32>,
      %get3A_352 = vector.shape_cast %get3A_351 : vector<1x16xf32> to vector<16xf32>
      %add3A_353 = arith.addf %add3A_346, %get3A_352 : vector<16xf32>
      %add3A_354 = arith.constant 41 : i32
      %add3A_355 = arith.addi %mul3A_70, %add3A_354 : i32
      %get3A_356 = arith.index_cast %add3A_355 : i32 to index
      %get3A_357 = arith.index_cast %mul3A_68 : i32 to index
      %get3A_358 = tpu.vector_load %arg6[%get3A_356, %get3A_357] {strides = array<i32>} : memref<200x128xf32, #tpu.memory_space<vmem>>, vector<1x16xf32>,
      %get3A_359 = vector.shape_cast %get3A_358 : vector<1x16xf32> to vector<16xf32>
      %add3A_360 = arith.addf %add3A_353, %get3A_359 : vector<16xf32>
      %add3A_361 = arith.constant 42 : i32
      %add3A_362 = arith.addi %mul3A_70, %add3A_361 : i32
      %get3A_363 = arith.index_cast %add3A_362 : i32 to index
      %get3A_364 = arith.index_cast %mul3A_68 : i32 to index
      %get3A_365 = tpu.vector_load %arg6[%get3A_363, %get3A_364] {strides = array<i32>} : memref<200x128xf32, #tpu.memory_space<vmem>>, vector<1x16xf32>,
      %get3A_366 = vector.shape_cast %get3A_365 : vector<1x16xf32> to vector<16xf32>
      %add3A_367 = arith.addf %add3A_360, %get3A_366 : vector<16xf32>
      %add3A_368 = arith.constant 43 : i32
      %add3A_369 = arith.addi %mul3A_70, %add3A_368 : i32
      %get3A_370 = arith.index_cast %add3A_369 : i32 to index
      %get3A_371 = arith.index_cast %mul3A_68 : i32 to index
      %get3A_372 = tpu.vector_load %arg6[%get3A_370, %get3A_371] {strides = array<i32>} : memref<200x128xf32, #tpu.memory_space<vmem>>, vector<1x16xf32>,
      %get3A_373 = vector.shape_cast %get3A_372 : vector<1x16xf32> to vector<16xf32>
      %add3A_374 = arith.addf %add3A_367, %get3A_373 : vector<16xf32>
      %add3A_375 = arith.constant 44 : i32
      %add3A_376 = arith.addi %mul3A_70, %add3A_375 : i32
      %get3A_377 = arith.index_cast %add3A_376 : i32 to index
      %get3A_378 = arith.index_cast %mul3A_68 : i32 to index
      %get3A_379 = tpu.vector_load %arg6[%get3A_377, %get3A_378] {strides = array<i32>} : memref<200x128xf32, #tpu.memory_space<vmem>>, vector<1x16xf32>,
      %get3A_380 = vector.shape_cast %get3A_379 : vector<1x16xf32> to vector<16xf32>
      %add3A_381 = arith.addf %add3A_374, %get3A_380 : vector<16xf32>
      %add3A_382 = arith.constant 45 : i32
      %add3A_383 = arith.addi %mul3A_70, %add3A_382 : i32
      %get3A_384 = arith.index_cast %add3A_383 : i32 to index
      %get3A_385 = arith.index_cast %mul3A_68 : i32 to index
      %get3A_386 = tpu.vector_load %arg6[%get3A_384, %get3A_385] {strides = array<i32>} : memref<200x128xf32, #tpu.memory_space<vmem>>, vector<1x16xf32>,
      %get3A_387 = vector.shape_cast %get3A_386 : vector<1x16xf32> to vector<16xf32>
      %add3A_388 = arith.addf %add3A_381, %get3A_387 : vector<16xf32>
      %add3A_389 = arith.constant 46 : i32
      %add3A_390 = arith.addi %mul3A_70, %add3A_389 : i32
      %get3A_391 = arith.index_cast %add3A_390 : i32 to index
      %get3A_392 = arith.index_cast %mul3A_68 : i32 to index
      %get3A_393 = tpu.vector_load %arg6[%get3A_391, %get3A_392] {strides = array<i32>} : memref<200x128xf32, #tpu.memory_space<vmem>>, vector<1x16xf32>,
      %get3A_394 = vector.shape_cast %get3A_393 : vector<1x16xf32> to vector<16xf32>
      %add3A_395 = arith.addf %add3A_388, %get3A_394 : vector<16xf32>
      %add3A_396 = arith.constant 47 : i32
      %add3A_397 = arith.addi %mul3A_70, %add3A_396 : i32
      %get3A_398 = arith.index_cast %add3A_397 : i32 to index
      %get3A_399 = arith.index_cast %mul3A_68 : i32 to index
      %get3A_400 = tpu.vector_load %arg6[%get3A_398, %get3A_399] {strides = array<i32>} : memref<200x128xf32, #tpu.memory_space<vmem>>, vector<1x16xf32>,
      %get3A_401 = vector.shape_cast %get3A_400 : vector<1x16xf32> to vector<16xf32>
      %add3A_402 = arith.addf %add3A_395, %get3A_401 : vector<16xf32>
      %add3A_403 = arith.constant 48 : i32
      %add3A_404 = arith.addi %mul3A_70, %add3A_403 : i32
      %get3A_405 = arith.index_cast %add3A_404 : i32 to index
      %get3A_406 = arith.index_cast %mul3A_68 : i32 to index
      %get3A_407 = tpu.vector_load %arg6[%get3A_405, %get3A_406] {strides = array<i32>} : memref<200x128xf32, #tpu.memory_space<vmem>>, vector<1x16xf32>,
      %get3A_408 = vector.shape_cast %get3A_407 : vector<1x16xf32> to vector<16xf32>
      %add3A_409 = arith.addf %add3A_402, %get3A_408 : vector<16xf32>
      %add3A_410 = arith.constant 49 : i32
      %add3A_411 = arith.addi %mul3A_70, %add3A_410 : i32
      %get3A_412 = arith.index_cast %add3A_411 : i32 to index
      %get3A_413 = arith.index_cast %mul3A_68 : i32 to index
      %get3A_414 = tpu.vector_load %arg6[%get3A_412, %get3A_413] {strides = array<i32>} : memref<200x128xf32, #tpu.memory_space<vmem>>, vector<1x16xf32>,
      %get3A_415 = vector.shape_cast %get3A_414 : vector<1x16xf32> to vector<16xf32>
      %add3A_416 = arith.addf %add3A_409, %get3A_415 : vector<16xf32>
      %swap3A = arith.index_cast %select_n3A : i32 to index
      %swap3A_417 = arith.index_cast %mul3A_68 : i32 to index
      %swap3A_418 = tpu.vector_load %arg7[%swap3A, %swap3A_417] {strides = array<i32>} : memref<4x128xf32, #tpu.memory_space<vmem>>, vector<1x16xf32>,
      %swap3A_419 = vector.shape_cast %swap3A_418 : vector<1x16xf32> to vector<16xf32>
      %swap3A_420 = vector.shape_cast %add3A_416 : vector<16xf32> to vector<1x16xf32>
      tpu.vector_store %arg7[%swap3A, %swap3A_417], %swap3A_420 {strides = array<i32>} : memref<4x128xf32, #tpu.memory_space<vmem>>, vector<1x16xf32>,
    }
    %scan3A_33 = arith.constant 32 : i32
    %mul3A_34 = arith.constant 4 : i32
    %mul3A_35 = arith.muli %add3A, %mul3A_34 : i32
    "tpu.region"() ({
      %run_scoped3A = tpu.sem_alloc : memref<!tpu.dma_semaphore, #tpu.memory_space<semaphore_mem>>
      %dma_start3A = arith.constant 0 : i32
      %dma_start3A_36 = tpu.memref_slice %arg4[%mul3A_35, %dma_start3A] : memref<128x128xf32, #tpu.memory_space<hbm>> -> memref<4x128xf32, #tpu.memory_space<hbm>>
      %dma_start3A_37 = arith.constant 0 : i32
      %dma_start3A_38 = tpu.memref_slice %arg4[%mul3A_35, %dma_start3A_37] : memref<128x128xf32, #tpu.memory_space<hbm>> -> memref<4x128xf32, #tpu.memory_space<hbm>>
      tpu.enqueue_dma source(%arg7 : memref<4x128xf32, #tpu.memory_space<vmem>>) target(%dma_start3A_38 : memref<4x128xf32, #tpu.memory_space<hbm>>) target_semaphore(%run_scoped3A : memref<!tpu.dma_semaphore, #tpu.memory_space<semaphore_mem>>)
      %dma_wait3A = arith.constant 0 : i32
      %dma_wait3A_39 = tpu.memref_slice %arg4[%mul3A_35, %dma_wait3A] : memref<128x128xf32, #tpu.memory_space<hbm>> -> memref<4x128xf32, #tpu.memory_space<hbm>>
      %dma_wait3A_40 = arith.constant 0 : i32
      %dma_wait3A_41 = tpu.memref_slice %arg4[%mul3A_35, %dma_wait3A_40] : memref<128x128xf32, #tpu.memory_space<hbm>> -> memref<4x128xf32, #tpu.memory_space<hbm>>
      tpu.wait_dma2 semaphore(%run_scoped3A : memref<!tpu.dma_semaphore, #tpu.memory_space<semaphore_mem>>) src(%arg7 : memref<4x128xf32, #tpu.memory_space<vmem>>) dst(%dma_wait3A_41 : memref<4x128xf32, #tpu.memory_space<hbm>>)
      tpu.yield
    }) : () -> ()
    return
  }
}

module attributes {stable_mosaic.version = 14 : i64} {
  func.func @_proj_body(%arg0: i32, %arg1: memref<64x32768xf32, #tpu.memory_space<vmem>>, %arg2: memref<64x256xf32, #tpu.memory_space<vmem>>, %arg3: memref<256x2xf32, #tpu.memory_space<vmem>>, %arg4: memref<1x32768xf32, #tpu.memory_space<vmem>>) attributes {dimension_semantics = [#tpu.dimension_semantics<arbitrary>], iteration_bounds = array<i64: 31>, scalar_prefetch = 0 : i64, scratch_operands = 0 : i64, tpu.core_type = #tpu.core_type<tc>, window_params = [{transform_indices = @transform_0, window_bounds = array<i64: 64, 32768>}, {pipeline_mode = #tpu.pipeline_mode<synchronous>, transform_indices = @transform_1, window_bounds = array<i64: 64, 256>}, {pipeline_mode = #tpu.pipeline_mode<synchronous>, transform_indices = @transform_2, window_bounds = array<i64: 256, 2>}, {transform_indices = @transform_3, window_bounds = array<i64: 1, 32768>}]} {
    %get3A = arith.constant 0 : index
    %get3A_0 = arith.constant 1 : index
    %get3A_1 = vector.load %arg3[%get3A, %get3A_0] : memref<256x2xf32, #tpu.memory_space<vmem>>, vector<256x1xf32>
    %get3A_2 = vector.shape_cast %get3A_1 : vector<256x1xf32> to vector<256xf32>
    %get3A_3 = arith.constant 0 : index
    %get3A_4 = arith.constant 0 : index
    %get3A_5 = vector.load %arg3[%get3A_3, %get3A_4] : memref<256x2xf32, #tpu.memory_space<vmem>>, vector<256x1xf32>
    %get3A_6 = vector.shape_cast %get3A_5 : vector<256x1xf32> to vector<256xf32>
    %sub3A = arith.subf %get3A_2, %get3A_6 : vector<256xf32>
    %get3A_7 = arith.constant 0 : index
    %get3A_8 = arith.constant 0 : index
    %get3A_9 = vector.load %arg2[%get3A_7, %get3A_8] : memref<64x256xf32, #tpu.memory_space<vmem>>, vector<64x256xf32>
    %broadcast_in_dim3A = vector.shape_cast %sub3A : vector<256xf32> to vector<1x256xf32>
    %mul3A = vector.broadcast %broadcast_in_dim3A : vector<1x256xf32> to vector<64x256xf32>
    %mul3A_10 = arith.mulf %get3A_9, %mul3A : vector<64x256xf32>
    %reduce_sum3A = arith.constant dense<0.000000e+00> : vector<64xf32>
    %reduce_sum3A_11 = vector.multi_reduction <add>, %mul3A_10, %reduce_sum3A [1] : vector<64x256xf32> to vector<64xf32>
    %broadcast_in_dim3A_12 = vector.shape_cast %reduce_sum3A_11 : vector<64xf32> to vector<1x64xf32>
    %get3A_13 = arith.constant 0 : index
    %get3A_14 = arith.constant 0 : index
    %get3A_15 = vector.load %arg1[%get3A_13, %get3A_14] : memref<64x32768xf32, #tpu.memory_space<vmem>>, vector<64x32768xf32>
    %dot_general3A = arith.constant dense<0.000000e+00> : vector<1x32768xf32>
    %dot_general3A_16 = tpu.matmul %broadcast_in_dim3A_12, %get3A_15, %dot_general3A {dimension_numbers = #tpu.dot_dimension_numbers<[1], [0], [0], [1], [0, 0, 1, 1], [], []>, transpose_lhs_hint = false} : vector<1x64xf32>, vector<64x32768xf32>, vector<1x32768xf32> -> vector<1x32768xf32>
    %swap3A = arith.constant 0 : index
    %swap3A_17 = arith.constant 0 : index
    %swap3A_18 = vector.load %arg4[%swap3A, %swap3A_17] : memref<1x32768xf32, #tpu.memory_space<vmem>>, vector<1x32768xf32>
    tpu.vector_store %arg4[%swap3A, %swap3A_17], %dot_general3A_16 {strides = array<i32>} : memref<1x32768xf32, #tpu.memory_space<vmem>>, vector<1x32768xf32>,
    return
  }
  func.func @transform_0(%arg0: i32) -> (i32, i32) {
    %c0_i32 = arith.constant 0 : i32
    %c0_i32_0 = arith.constant 0 : i32
    return %c0_i32, %arg0 : i32, i32
  }
  func.func @transform_1(%arg0: i32) -> (i32, i32) {
    %c0_i32 = arith.constant 0 : i32
    %c0_i32_0 = arith.constant 0 : i32
    %c0_i32_1 = arith.constant 0 : i32
    return %c0_i32, %c0_i32_0 : i32, i32
  }
  func.func @transform_2(%arg0: i32) -> (i32, i32) {
    %c0_i32 = arith.constant 0 : i32
    %c0_i32_0 = arith.constant 0 : i32
    %c0_i32_1 = arith.constant 0 : i32
    return %c0_i32, %c0_i32_0 : i32, i32
  }
  func.func @transform_3(%arg0: i32) -> (i32, i32) {
    %c0_i32 = arith.constant 0 : i32
    %c0_i32_0 = arith.constant 0 : i32
    return %c0_i32, %arg0 : i32, i32
  }
}

module attributes {stable_mosaic.version = 14 : i64} {
  func.func @_loss_body(%arg0: i32, %arg1: memref<128x128xi32, #tpu.memory_space<vmem>>, %arg2: memref<128x128xf32, #tpu.memory_space<vmem>>, %arg3: memref<256x2xf32, #tpu.memory_space<vmem>>, %arg4: memref<1x256xf32, #tpu.memory_space<vmem>>, %arg5: memref<1x2xf32, #tpu.memory_space<vmem>>, %arg6: memref<1x1xf32, #tpu.memory_space<smem>>, %arg7: memref<1x1xi32, #tpu.memory_space<smem>>) attributes {dimension_semantics = [#tpu.dimension_semantics<arbitrary>], iteration_bounds = array<i64: 1>, scalar_prefetch = 0 : i64, scratch_operands = 0 : i64, tpu.core_type = #tpu.core_type<tc>, window_params = [{pipeline_mode = #tpu.pipeline_mode<synchronous>, transform_indices = @transform_0, window_bounds = array<i64: 128, 128>}, {pipeline_mode = #tpu.pipeline_mode<synchronous>, transform_indices = @transform_1, window_bounds = array<i64: 128, 128>}, {pipeline_mode = #tpu.pipeline_mode<synchronous>, transform_indices = @transform_2, window_bounds = array<i64: 256, 2>}, {pipeline_mode = #tpu.pipeline_mode<synchronous>, transform_indices = @transform_3, window_bounds = array<i64: 1, 256>}, {pipeline_mode = #tpu.pipeline_mode<synchronous>, transform_indices = @transform_4, window_bounds = array<i64: 1, 2>}, {transform_indices = @transform_5, window_bounds = array<i64: 1, 1>}, {transform_indices = @transform_6, window_bounds = array<i64: 1, 1>}]} {
    %get3A = arith.constant 0 : index
    %get3A_0 = arith.constant 1 : index
    %get3A_1 = vector.load %arg3[%get3A, %get3A_0] : memref<256x2xf32, #tpu.memory_space<vmem>>, vector<256x1xf32>
    %get3A_2 = vector.shape_cast %get3A_1 : vector<256x1xf32> to vector<256xf32>
    %get3A_3 = arith.constant 0 : index
    %get3A_4 = arith.constant 0 : index
    %get3A_5 = vector.load %arg3[%get3A_3, %get3A_4] : memref<256x2xf32, #tpu.memory_space<vmem>>, vector<256x1xf32>
    %get3A_6 = vector.shape_cast %get3A_5 : vector<256x1xf32> to vector<256xf32>
    %sub3A = arith.subf %get3A_2, %get3A_6 : vector<256xf32>
    %get3A_7 = arith.constant 0 : index
    %get3A_8 = arith.constant 0 : index
    %get3A_9 = vector.load %arg4[%get3A_7, %get3A_8] : memref<1x256xf32, #tpu.memory_space<vmem>>, vector<1x256xf32>
    %get3A_10 = vector.shape_cast %get3A_9 : vector<1x256xf32> to vector<256xf32>
    %mul3A = arith.mulf %get3A_10, %sub3A : vector<256xf32>
    %reduce_sum3A = vector.shape_cast %mul3A : vector<256xf32> to vector<1x256xf32>
    %reduce_sum3A_11 = arith.constant dense<0.000000e+00> : vector<1xf32>
    %reduce_sum3A_12 = vector.multi_reduction <add>, %reduce_sum3A, %reduce_sum3A_11 [1] : vector<1x256xf32> to vector<1xf32>
    %reduce_sum3A_13 = vector.shape_cast %reduce_sum3A_12 : vector<1xf32> to vector<1x1xf32>
    %reduce_sum3A_14 = vector.extract %reduce_sum3A_13[0, 0] : f32 from vector<1x1xf32>
    %get3A_15 = arith.constant 0 : index
    %get3A_16 = arith.constant 1 : index
    %get3A_17 = vector.load %arg5[%get3A_15, %get3A_16] : memref<1x2xf32, #tpu.memory_space<vmem>>, vector<1x1xf32>
    %get3A_18 = vector.extract %get3A_17[0, 0] : f32 from vector<1x1xf32>
    %get3A_19 = arith.constant 0 : index
    %get3A_20 = arith.constant 0 : index
    %get3A_21 = vector.load %arg5[%get3A_19, %get3A_20] : memref<1x2xf32, #tpu.memory_space<vmem>>, vector<1x1xf32>
    %get3A_22 = vector.extract %get3A_21[0, 0] : f32 from vector<1x1xf32>
    %sub3A_23 = arith.subf %get3A_18, %get3A_22 : f32
    %add3A = arith.addf %reduce_sum3A_14, %sub3A_23 : f32
    %get3A_24 = arith.constant 0 : index
    %get3A_25 = arith.constant 0 : index
    %get3A_26 = vector.load %arg2[%get3A_24, %get3A_25] : memref<128x128xf32, #tpu.memory_space<vmem>>, vector<128x128xf32>
    %div3A = arith.constant 5.000000e+01 : f32
    %div3A_27 = vector.broadcast %div3A : f32 to vector<128x128xf32>
    %div3A_28 = arith.divf %get3A_26, %div3A_27 : vector<128x128xf32>
    %add3A_29 = vector.broadcast %add3A : f32 to vector<128x128xf32>
    %add3A_30 = arith.addf %div3A_28, %add3A_29 : vector<128x128xf32>
    %get3A_31 = arith.constant 0 : index
    %get3A_32 = arith.constant 0 : index
    %get3A_33 = vector.load %arg1[%get3A_31, %get3A_32] : memref<128x128xi32, #tpu.memory_space<vmem>>, vector<128x128xi32>
    %eq3A = arith.constant 0 : i32
    %eq3A_34 = vector.broadcast %eq3A : i32 to vector<128x128xi32>
    %eq3A_35 = arith.cmpi eq, %get3A_33, %eq3A_34 : vector<128x128xi32>
    %neg3A = arith.constant 0.000000e+00 : f32
    %neg3A_36 = vector.broadcast %neg3A : f32 to vector<128x128xf32>
    %neg3A_37 = arith.subf %neg3A_36, %add3A_30 : vector<128x128xf32>
    %select_n3A = arith.select %eq3A_35, %add3A_30, %neg3A_37 : vector<128x128xi1>, vector<128x128xf32>
    %max3A = arith.constant 0.000000e+00 : f32
    %max3A_38 = vector.broadcast %max3A : f32 to vector<128x128xf32>
    %max3A_39 = arith.maximumf %select_n3A, %max3A_38 : vector<128x128xf32>
    %abs3A = math.absf %select_n3A : vector<128x128xf32>
    %neg3A_40 = arith.constant 0.000000e+00 : f32
    %neg3A_41 = vector.broadcast %neg3A_40 : f32 to vector<128x128xf32>
    %neg3A_42 = arith.subf %neg3A_41, %abs3A : vector<128x128xf32>
    %exp3A = math.exp %neg3A_42 : vector<128x128xf32>
    %log1p3A = math.log1p %exp3A : vector<128x128xf32>
    %add3A_43 = arith.addf %max3A_39, %log1p3A : vector<128x128xf32>
    %reduce_sum3A_44 = vector.shape_cast %add3A_43 : vector<128x128xf32> to vector<1x128x128xf32>
    %reduce_sum3A_45 = arith.constant dense<0.000000e+00> : vector<1xf32>
    %reduce_sum3A_46 = vector.multi_reduction <add>, %reduce_sum3A_44, %reduce_sum3A_45 [1, 2] : vector<1x128x128xf32> to vector<1xf32>
    %reduce_sum3A_47 = vector.shape_cast %reduce_sum3A_46 : vector<1xf32> to vector<1x1x1xf32>
    %reduce_sum3A_48 = vector.extract %reduce_sum3A_47[0, 0, 0] : f32 from vector<1x1x1xf32>
    %div3A_49 = arith.constant 1.638400e+04 : f32
    %div3A_50 = arith.divf %reduce_sum3A_48, %div3A_49 : f32
    %swap3A = arith.constant 0 : index
    %swap3A_51 = arith.constant 0 : index
    %swap3A_52 = memref.load %arg6[%swap3A, %swap3A_51] : memref<1x1xf32, #tpu.memory_space<smem>>
    memref.store %div3A_50, %arg6[%swap3A, %swap3A_51] : memref<1x1xf32, #tpu.memory_space<smem>>
    %gt3A = arith.constant 0.000000e+00 : f32
    %gt3A_53 = vector.broadcast %gt3A : f32 to vector<128x128xf32>
    %gt3A_54 = arith.cmpf ogt, %add3A_30, %gt3A_53 : vector<128x128xf32>
    %eq3A_55 = arith.constant 1 : i32
    %eq3A_56 = vector.broadcast %eq3A_55 : i32 to vector<128x128xi32>
    %eq3A_57 = arith.cmpi eq, %get3A_33, %eq3A_56 : vector<128x128xi32>
    %eq3A_58 = arith.xori %gt3A_54, %eq3A_57 : vector<128x128xi1>
    %eq3A_59 = arith.constant dense<true> : vector<128x128xi1>
    %eq3A_60 = arith.xori %eq3A_58, %eq3A_59 : vector<128x128xi1>
    %convert_element_type3A = arith.extui %eq3A_60 : vector<128x128xi1> to vector<128x128xi32>
    %reduce_sum3A_61 = vector.shape_cast %convert_element_type3A : vector<128x128xi32> to vector<1x128x128xi32>
    %reduce_sum3A_62 = arith.constant dense<0> : vector<1xi32>
    %reduce_sum3A_63 = vector.multi_reduction <add>, %reduce_sum3A_61, %reduce_sum3A_62 [1, 2] : vector<1x128x128xi32> to vector<1xi32>
    %reduce_sum3A_64 = vector.shape_cast %reduce_sum3A_63 : vector<1xi32> to vector<1x1x1xi32>
    %reduce_sum3A_65 = vector.extract %reduce_sum3A_64[0, 0, 0] : i32 from vector<1x1x1xi32>
    %swap3A_66 = arith.constant 0 : index
    %swap3A_67 = arith.constant 0 : index
    %swap3A_68 = memref.load %arg7[%swap3A_66, %swap3A_67] : memref<1x1xi32, #tpu.memory_space<smem>>
    memref.store %reduce_sum3A_65, %arg7[%swap3A_66, %swap3A_67] : memref<1x1xi32, #tpu.memory_space<smem>>
    return
  }
  func.func @transform_0(%arg0: i32) -> (i32, i32) {
    %c0_i32 = arith.constant 0 : i32
    %c0_i32_0 = arith.constant 0 : i32
    %c0_i32_1 = arith.constant 0 : i32
    return %c0_i32, %c0_i32_0 : i32, i32
  }
  func.func @transform_1(%arg0: i32) -> (i32, i32) {
    %c0_i32 = arith.constant 0 : i32
    %c0_i32_0 = arith.constant 0 : i32
    %c0_i32_1 = arith.constant 0 : i32
    return %c0_i32, %c0_i32_0 : i32, i32
  }
  func.func @transform_2(%arg0: i32) -> (i32, i32) {
    %c0_i32 = arith.constant 0 : i32
    %c0_i32_0 = arith.constant 0 : i32
    %c0_i32_1 = arith.constant 0 : i32
    return %c0_i32, %c0_i32_0 : i32, i32
  }
  func.func @transform_3(%arg0: i32) -> (i32, i32) {
    %c0_i32 = arith.constant 0 : i32
    %c0_i32_0 = arith.constant 0 : i32
    %c0_i32_1 = arith.constant 0 : i32
    return %c0_i32, %c0_i32_0 : i32, i32
  }
  func.func @transform_4(%arg0: i32) -> (i32, i32) {
    %c0_i32 = arith.constant 0 : i32
    %c0_i32_0 = arith.constant 0 : i32
    %c0_i32_1 = arith.constant 0 : i32
    return %c0_i32, %c0_i32_0 : i32, i32
  }
  func.func @transform_5(%arg0: i32) -> (i32, i32) {
    %c0_i32 = arith.constant 0 : i32
    %c0_i32_0 = arith.constant 0 : i32
    %c0_i32_1 = arith.constant 0 : i32
    return %c0_i32, %c0_i32_0 : i32, i32
  }
  func.func @transform_6(%arg0: i32) -> (i32, i32) {
    %c0_i32 = arith.constant 0 : i32
    %c0_i32_0 = arith.constant 0 : i32
    %c0_i32_1 = arith.constant 0 : i32
    return %c0_i32, %c0_i32_0 : i32, i32
  }
}

</mosaic_0001>

<sc_bundles>
// kernel: kernel.5.cloned.1.call-start
scs
__scs_entry_jumppad:
0x0: {  	(pc) =	sbr.rel $0x88, $3  }
0x1: {  	(tag) =	ssettag $0x0;
	lr =	simm.s32 $0x1  }
0x2: {  	[smem:$0x3F9A] =	sst lr;
	_ =	strace $0xD0000000  }
0x3: {  	_ = 	snop  }
0x4: {  	_ = 	snop  }
0x5: {  	_ = 	snop  }
0x6: {  	_ = 	snop  }
0x7: {  	_ = 	snop  }
__scs_overlays_trampoline_lowered:
0x8: {  	[smem:$0x3FA9] =	sst s0  }
0x9: {  	[smem:$0x3FAA] =	sst s1  }
0xa: {  	[smem:$0x3FAB] =	sst s2  }
0xb: {  	[smem:$0x3FAC] =	sst s3  }
0xc: {  	[smem:$0x3FAD] =	sst s4  }
0xd: {  	[smem:$0x3FAE] =	sst s5  }
0xe: {  	[smem:$0x3FAF] =	sst s6  }
0xf: {  	[smem:$0x3FB0] =	sst s7  }
0x10: {  	[smem:$0x3FB1] =	sst s8  }
0x11: {  	[smem:$0x3FB2] =	sst s9;
	s0 =	simm.s32 @!p0 $0x0  }
0x12: {  	s1 =	sld [smem:$0x3F98];
	s0 =	simm.s32 @p0 $0x1  }
0x13: {  	[smem:$0x3FB3] =	sst s0;
	s0 =	simm.s32 @!p1 $0x0  }
0x14: {  	s2 =	sld [smem:$0x3F97];
	s0 =	simm.s32 @p1 $0x1  }
0x15: {  	[smem:$0x3FB4] =	sst s0;
	s0 =	simm.s32 @!p2 $0x0  }
0x16: {  	s3 =	sld [smem:$0x3FDB];
	s0 =	simm.s32 @p2 $0x1  }
0x17: {  	s4 =	simm.s32 $0x1BF5;
	[smem:$0x3FB6] =	sst s0  }
0x18: {  	s0 =	sld [smem:$0x3F99];
	_ =	swait.ge [sflag:s4], $0x0  }
0x19: {  	s7 =	sld [smem:$0x3F9A]  }
0x1a: {  	s8 =	sadd.s32 $0xFFFFE003, lr  }
0x1b: {  	s9 =	sadd.s32 $0xFFFFFEF7, lr;
	s5 =	simm.s32 $0xFFFFFFFF;
	p2 =	slt.u32 s8, $0xFFFFF086  }
0x1c: {  	p1 =	slt.u32 s9, $0xF7A;
	s5 =	simm.s32 @!p2 $0x0  }
0x1d: {  	s5 =	simm.s32 @p1 $0x1;
	p0 =	seq.s32 s7, s2  }
0x1e: {  	s7 =	smul.u32 @!p0 $0xF7A, s2;
	p2 =	seq.s32 @!p0 s5, $0x0  }
0x1f: {  	s9 =	smul.u32 $0xF7A, s1;
	s8 =	simm.s32 @!p0 $0x1BF5;
	p2 =	por !p2, p0  }
0x20: {  	[sflag:s8] =	ssyncset.s32 @!p0 $0xFFFFF086;
	s6 =	sadd.s32 @!p0 s3, s7;
	s7 =	simm.s32 @!p0 $0x108  }
0x21: {  	s3 =	sadd.s32 s3, s9;
	s6 =	sadd.s32 @!p0 $0x88, s6;
	s7 =	simm.s32 @p2 $0x1082  }
0x22: {  	[simem:s7], [sflag:s8] =	dma.local @!p0 [hbm:s6], $0xF7A  }
0x23: {  	s9 =	sor.u32 $0xD0000000, s2;
	s6 =	simm.s32 $0x108;
	_ =	swait.ge @!p0 [sflag:s8], $0x0  }
0x24: {  	s3 =	sadd.s32 $0x88, s3;
	s6 =	simm.s32 @!p1 $0x1082;
	[sflag:s4] =	ssyncset.s32 $0xFFFFF086  }
0x25: {  	[simem:s6], [sflag:s4] =	dma.local [hbm:s3], $0xF7A  }
0x26: {  	[smem:$0x3F9A] =	sst s1;
	(tag) =	ssettag s2;
	_ =	strace s9  }
0x27: {  	s1 =	sld [smem:$0x3FAA]  }
0x28: {  	s2 =	sld [smem:$0x3FAB]  }
0x29: {  	s4 =	sld [smem:$0x3FAD]  }
0x2a: {  	p0 =	seq.s32 s5, $0x0;
	s5 =	sld [smem:$0x3FAE]  }
0x2b: {  	s6 =	sld [smem:$0x3FAF]  }
0x2c: {  	s7 =	sld [smem:$0x3FB0]  }
0x2d: {  	s3 =	simm.s32 $0x108;
	s8 =	sld [smem:$0x3FB1]  }
0x2e: {  	s3 =	simm.s32 @!p0 $0x1082;
	s9 =	sld [smem:$0x3FB2]  }
0x2f: {  	lr =	sadd.s32 s0, s3;
	s0 =	sld [smem:$0x3FA9]  }
0x30: {  	s3 =	sld [smem:$0x3FAC]  }
0x31: {  	[smem:$0x3FB5] =	sst s10  }
0x32: {  	s10 =	sld [smem:$0x3FB3];
	_ =	sdelay $0x3  }
0x33: {  	p0 =	seq.s32 s10, $0x1;
	s10 =	sld [smem:$0x3FB5];
	_ =	sdelay $0x3  }
0x34: {  	[smem:$0x3FB5] =	sst s10  }
0x35: {  	s10 =	sld [smem:$0x3FB4];
	_ =	sdelay $0x3  }
0x36: {  	p1 =	seq.s32 s10, $0x1;
	s10 =	sld [smem:$0x3FB5];
	_ =	sdelay $0x3  }
0x37: {  	[smem:$0x3FB5] =	sst s10  }
0x38: {  	s10 =	sld [smem:$0x3FB6]  }
0x39: {  	_ = 	snop;
	(pc) =	sbr.ind lr, $3  }
0x3a: {  	_ = 	snop  }
0x3b: {  	_ = 	snop  }
0x3c: {  	p2 =	seq.s32 s10, $0x1;
	s10 =	sld [smem:$0x3FB5]  }
0x3d: {  	_ =	shalt  }
0x3e: {  	_ =	shalt  }
0x3f: {  	_ =	shalt  }
0x40: {  	_ =	shalt  }
0x41: {  	_ =	shalt  }
0x42: {  	_ =	shalt  }
0x43: {  	_ =	shalt  }
0x44: {  	_ =	shalt  }
0x45: {  	_ =	shalt  }
0x46: {  	_ =	shalt  }
0x47: {  	_ =	shalt  }
0x48: {  	_ =	shalt  }
0x49: {  	_ =	shalt  }
0x4a: {  	_ =	shalt  }
0x4b: {  	_ =	shalt  }
0x4c: {  	_ =	shalt  }
0x4d: {  	_ =	shalt  }
0x4e: {  	_ =	shalt  }
0x4f: {  	_ =	shalt  }
0x50: {  	_ =	shalt  }
0x51: {  	_ =	shalt  }
0x52: {  	_ =	shalt  }
0x53: {  	_ =	shalt  }
0x54: {  	_ =	shalt  }
0x55: {  	_ =	shalt  }
0x56: {  	_ =	shalt  }
0x57: {  	_ =	shalt  }
0x58: {  	_ =	shalt  }
0x59: {  	_ =	shalt  }
0x5a: {  	_ =	shalt  }
0x5b: {  	_ =	shalt  }
0x5c: {  	_ =	shalt  }
0x5d: {  	_ =	shalt  }
0x5e: {  	_ =	shalt  }
0x5f: {  	_ =	shalt  }
0x60: {  	_ =	shalt  }
0x61: {  	_ =	shalt  }
0x62: {  	_ =	shalt  }
0x63: {  	_ =	shalt  }
0x64: {  	_ =	shalt  }
0x65: {  	_ =	shalt  }
0x66: {  	_ =	shalt  }
0x67: {  	_ =	shalt  }
0x68: {  	_ =	shalt  }
0x69: {  	_ =	shalt  }
0x6a: {  	_ =	shalt  }
0x6b: {  	_ =	shalt  }
0x6c: {  	_ =	shalt  }
0x6d: {  	_ =	shalt  }
0x6e: {  	_ =	shalt  }
0x6f: {  	_ =	shalt  }
0x70: {  	_ =	shalt  }
0x71: {  	_ =	shalt  }
0x72: {  	_ =	shalt  }
0x73: {  	_ =	shalt  }
0x74: {  	_ =	shalt  }
0x75: {  	_ =	shalt  }
0x76: {  	_ =	shalt  }
0x77: {  	_ =	shalt  }
0x78: {  	_ =	shalt  }
0x79: {  	_ =	shalt  }
0x7a: {  	_ =	shalt  }
0x7b: {  	_ =	shalt  }
0x7c: {  	_ =	shalt  }
0x7d: {  	_ =	shalt  }
0x7e: {  	_ =	shalt  }
0x7f: {  	_ =	shalt  }
0x80: {  	_ =	shalt  }
0x81: {  	_ =	shalt  }
0x82: {  	_ =	shalt  }
0x83: {  	_ =	shalt  }
0x84: {  	_ =	shalt  }
0x85: {  	_ =	shalt  }
0x86: {  	_ =	shalt  }
0x87: {  	_ =	shalt  }
.Lfunc_end0:
.L_simem_size_0:
called_computation_lowered:
.L_overlay_start_0:
0x88: {  	s2 =	sld [smem:$0x3FD9]  }
0x89: {  	s3 =	sld [smem:$0x3FFE];
	_ =	sdelay $0x1  }
0x8a: {  	s1 =	srdreg.scid  }
0x8b: {  	s0 =	sand.u32 $0x1, s1  }
0x8c: {  	s16 =	sshll.u32 s0, $0xA;
	s2 =	sadd.s32 s3, s2  }
0x8d: {  	s2 =	sadd.s32 s2, s16  }
0x8e: {  	[smem:$0x3FC1] =	sst s2  }
0x8f: {  	_ = 	snop  }
0x90: {  	(tm) =	ssettm $0x1  }
0x91: {  	s17 =	sld [smem:$0x3FFB];
	_ =	sdelay $0x3  }
0x92: {  	_ =	strace s17  }
0x93: {  	s2 =	sld [smem:$0x3FFC];
	_ =	sdelay $0x3  }
0x94: {  	_ =	strace s2  }
0x95: {  	s2 =	sld [smem:$0x3FFD];
	_ =	sdelay $0x3  }
0x96: {  	_ =	strace s2  }
0x97: {  	_ =	strace $0x8FFFFFFF  }
0x98: {  	s18 =	sld [smem:$0x3FDB];
	_ =	sdelay $0x1  }
0x99: {  	s19 =	simm.s32 $_scs_section_size  }
0x9a: {  	s4 =	simm.s32 $_size__tile_overlayer_lowered;
	s5 =	simm.s32 $_tile_overlayer_lowered  }
0x9b: {  	s22 =	simm.s32 $0x1BFF;
	s21 =	sshll.u32 s5, $0x1;
	s2 =	sadd.s32 s19, s18  }
0x9c: {  	s6 =	simm.s32 $0x0;
	s20 =	sshll.u32 s4, $0x1;
	s4 =	sadd.s32 s21, s2  }
0x9d: {  	[timem:s6], [sflag:s22] =	dma.local [hbm:s4], s20  }
0x9e: {  	_ =	swait.ge [sflag:s22], s20  }
0x9f: {  	s3 =	ssub.s32 $0x0, s20;
	[sflag:s22] =	ssyncset.done $0x0  }
0xa0: {  	[sflag:s22] =	ssyncadd.s32 s3;
	_ =	sdelay $0x1  }
0xa1: {  	s23 =	simm.s32 $0x1B8B  }
0xa2: {  	_ =	swait.ge [sflag:s23], $0x1  }
0xa3: {  	[sflag:s23] =	ssyncset.done $0x0  }
0xa4: {  	s25 =	simm.s32 $0x1B8E;
	s24 =	sld [smem:$0x3FFE];
	[sflag:s23] =	ssyncadd.s32 $0xFFFFFFFF  }
0xa5: {  	s26 =	simm.s32 $execute0_lowered;
	[smem:$0x3FD2] =	sst s25  }
0xa6: {  	s4 =	sshll.u32 s26, $0x1;
	_ =	strace $0x80000046;
	[dreg:$0x1] =	wrdreg $0xFFFFFFFF  }
0xa7: {  	s28 =	simm.s32 $_size_execute0_lowered;
	s2 =	sadd.s32 s2, s4;
	[dreg:$0x0] =	wrdreg $0x0  }
0xa8: {  	s4 =	sshll.u32 s28, $0x1;
	[dreg:$0x2] =	wrdreg s2  }
0xa9: {  	[dreg:$0x3] =	wrdreg s4  }
0xaa: {  	[dreg:$0x4] =	wrdreg $0xC0  }
0xab: {  	_ =	task [dreg:s6], $0x5FFFF  }
0xac: {  	[dreg:$0x1] =	wrdreg $0xFFFFFFFF  }
0xad: {  	[dreg:$0x0] =	wrdreg $0x60  }
0xae: {  	[dreg:$0x2] =	wrdreg s24  }
0xaf: {  	[dreg:$0x3] =	wrdreg $0x9  }
0xb0: {  	_ =	task.clear_ibuf [dreg:s6], $0x4FFFF;
	_ =	strace $0x90000046  }
0xb1: {  	s29 =	simm.s32 $0x9;
	_ =	strace $0x80000048  }
0xb2: {  	_ =	swait.ge [sflag:s29], $0x1  }
0xb3: {  	[sflag:s29] =	ssyncadd.s32 $0xFFFFFFFF  }
0xb4: {  	_ =	strace $0x90000048  }
0xb5: {  	_ =	sfence  }
0xb6: {  	s30 =	sld [smem:$0x0];
	_ =	sdelay $0x2  }
0xb7: {  	s31 =	sshll.u32 s1, $0xD;
	s1 =	sshrl.u32 s1, $0x2  }
0xb8: {  	s3 =	sand.u32 $0x4000, s31;
	s1 =	sadd.s32 s1, s30  }
0xb9: {  	s0 =	sor.u32 s3, s0;
	s1 =	sshll.u32 s1, $0x11  }
0xba: {  	s0 =	sor.u32 s1, s0  }
0xbb: {  	s0 =	sadd.s32 $0x8F2B, s0  }
0xbc: {  	[sflag:s0] =	ssyncadd.remote.s32 $0x1  }
0xbd: {  	_ =	sfence.sel $0xFFFF  }
0xbe: {  	[dreg:$0x0] =	wrdreg $0xFFFFFFFF;
	(pc) =	sbr.abs _section_cstart, $3  }
0xbf: {  	[dreg:$0x1] =	wrdreg $0xFFFFFFFF  }
0xc0: {  	_ =	task.clear_ibuf [dreg:s6], $0x2FFFF;
	_ =	strace $0x9FFFFFFF  }
0xc1: {  	(tm) =	ssettm $0x7FFFFFFF  }
tec
execute0_lowered:
.L_overlay_start_1:
0x0: {  	(tag) =	ssettag $0x1  }
0x1: {  	s4 =	rddreg [dreg:$0x0]  }
0x2: {  	s0 =	rddreg [dreg:$0x1];
	s2 =	simm.s32 $0x0;
	s3 =	srdreg.scid  }
0x3: {  	s1 =	stileid.u32;
	s10 =	simm.s32 $0x80;
	s11 =	simm.s32 $0x4000  }
0x4: {  	s12 =	simm.s32 $0x2;
	s13 =	simm.s32 $0x1900;
	s14 =	simm.s32 $0x3200  }
0x5: {  	s15 =	simm.s32 $0x4B00;
	s16 =	simm.s32 $0x1;
	s17 =	simm.s32 $0xC800  }
0x6: {  	s18 =	simm.s32 $0x0;
	[smem:$0x7FF] =	sst s2;
	s3 =	sand.u32 $0x1, s3  }
0x7: {  	s5 =	sshll.u32 s1, $0x7;
	s6 =	sshll.u32 s3, $0x6;
	s7 =	ssub.s32 $0x2, s3  }
0x8: {  	_ =	strace $0x80000047;
	s5 =	sor.u32 s6, s5;
	s31 =	sshrl.u32 s7, $0x1  }
0x9: {  	s3 =	sadd.s32 $0x1A200, s4;
	s8 =	sadd.s32 s5, s4;
	s9 =	ssub.s32 s7, s31  }
0xa: {  	s4 =	sadd.s32 $0x1200, s8;
	s5 =	sadd.s32 $0x1210, s8;
	s6 =	sadd.s32 $0x1220, s8  }
0xb: {  	s7 =	sadd.s32 $0x1230, s8;
	s8 =	sadd.s32 $0x39200, s8;
	s9 =	smax.u32 s9, $0x1  }
.LBB2_1:
0xc: {  	[tilespmem:s2], [sflag:$0x2] =	stream.strided.gather [hbm4b:s4+s10], $0x1900, s11, s10, $0x38;
	[tilespmem:$0xCA00] =	vst v63  }
0xd: {  	_ =	swait.ge [sflag:s12], $0x1900  }
0xe: {  	[sflag:s12] =	ssyncset.done $0x0  }
0xf: {  	[sflag:s12] =	ssyncadd.s32 $0xFFFFE700  }
0x10: {  	[tilespmem:s13], [sflag:$0x2] =	stream.strided.gather [hbm4b:s5+s10], $0x1900, s11, s10, $0x38;
	[tilespmem:$0xCA00] =	vst v63  }
0x11: {  	_ =	swait.ge [sflag:s12], $0x1900  }
0x12: {  	[sflag:s12] =	ssyncset.done $0x0  }
0x13: {  	[sflag:s12] =	ssyncadd.s32 $0xFFFFE700  }
0x14: {  	[tilespmem:s14], [sflag:$0x2] =	stream.strided.gather [hbm4b:s6+s10], $0x1900, s11, s10, $0x38;
	[tilespmem:$0xCA00] =	vst v63  }
0x15: {  	_ =	swait.ge [sflag:s12], $0x1900  }
0x16: {  	[sflag:s12] =	ssyncset.done $0x0  }
0x17: {  	[sflag:s12] =	ssyncadd.s32 $0xFFFFE700  }
0x18: {  	[tilespmem:s15], [sflag:$0x2] =	stream.strided.gather [hbm4b:s7+s10], $0x1900, s11, s10, $0x38;
	[tilespmem:$0xCA00] =	vst v63  }
0x19: {  	_ =	swait.ge [sflag:s12], $0x1900  }
0x1a: {  	[sflag:s12] =	ssyncset.done $0x0  }
0x1b: {  	s19 =	simm.s32 $0x0;
	[sflag:s12] =	ssyncadd.s32 $0xFFFFE700  }
.LBB2_2:
0x1c: {  	p0 =	sne.s32 s19, $0x18E00  }
.Ltmp0:
0x1d: {  	_ = 	snop;
	(pc) =	sbr.rel @p0 .LBB2_2-.Ltmp0, $4  }
0x1e: {  	_ = 	snop  }
0x1f: {  	s20 =	sshra.s32 s19, $0x2  }
0x20: {  	s19 =	sadd.s32 $0x200, s19;
	s21 =	sadd.s32 $0x6400, s20  }
0x21: {  	[tilespmem:s21], [sflag:$0x1] =	stream.indirect.gather [hbm4b:s3+s10], $0x1, s20, s10, $0xb8;
	[tilespmem:$0xCA00] =	vst v63  }
0x22: {  	s19 =	simm.s32 $0xC8  }
.LBB2_4:
0x23: {  	p0 =	sne.s32 s19, $0x1  }
.Ltmp1:
0x24: {  	_ = 	snop;
	(pc) =	sbr.rel @p0 .LBB2_4-.Ltmp1, $4  }
0x25: {  	_ = 	snop  }
0x26: {  	_ =	swait.ge [sflag:s16], $0x80  }
0x27: {  	[sflag:s16] =	ssyncset.done $0x0  }
0x28: {  	s19 =	sadd.s32 $0xFFFFFFFF, s19;
	[sflag:s16] =	ssyncadd.s32 $0xFFFFFF80  }
0x29: {  	s19 =	simm.s32 $0x0  }
0x2a: {  	s19 =	smul.u32 $0x6400, s19  }
0x2b: {  	s21 =	simm.s32 $0x0  }
0x2c: {  	s20 =	sand.u32 $0x70, s21;
	s19 =	sshra.s32 s19, $0x2  }
0x2d: {  	s22 =	sor.u32 s20, s19  }
0x2e: {  	v0 =	vld [tilespmem:s22+$0x6480]  }
0x2f: {  	v1 =	vld [tilespmem:s22+$0x6400];
	_ =	sdelay $0x1  }
0x30: {  	v2 =	vld [tilespmem:s22+$0x6500];
	_ =	sdelay $0x1  }
0x31: {  	v3 =	vld [tilespmem:s22+$0x6580]  }
0x32: {  	v0 =	vadd.f32 v0, v1  }
0x33: {  	v1 =	vld [tilespmem:s22+$0x6600]  }
0x34: {  	v0 =	vadd.f32 v2, v0  }
0x35: {  	v2 =	vld [tilespmem:s22+$0x6680]  }
0x36: {  	v0 =	vadd.f32 v3, v0  }
0x37: {  	v3 =	vld [tilespmem:s22+$0x6700]  }
0x38: {  	v0 =	vadd.f32 v1, v0  }
0x39: {  	v1 =	vld [tilespmem:s22+$0x6780]  }
0x3a: {  	v0 =	vadd.f32 v2, v0  }
0x3b: {  	v2 =	vld [tilespmem:s22+$0x6800]  }
0x3c: {  	v0 =	vadd.f32 v3, v0  }
0x3d: {  	v3 =	vld [tilespmem:s22+$0x6880]  }
0x3e: {  	v0 =	vadd.f32 v1, v0  }
0x3f: {  	v1 =	vld [tilespmem:s22+$0x6900]  }
0x40: {  	v0 =	vadd.f32 v2, v0  }
0x41: {  	v2 =	vld [tilespmem:s22+$0x6980]  }
0x42: {  	v0 =	vadd.f32 v3, v0  }
0x43: {  	v3 =	vld [tilespmem:s22+$0x6A00]  }
0x44: {  	v0 =	vadd.f32 v1, v0  }
0x45: {  	v1 =	vld [tilespmem:s22+$0x6A80]  }
0x46: {  	v0 =	vadd.f32 v2, v0  }
0x47: {  	v2 =	vld [tilespmem:s22+$0x6B00]  }
0x48: {  	v0 =	vadd.f32 v3, v0  }
0x49: {  	v3 =	vld [tilespmem:s22+$0x6B80]  }
0x4a: {  	v0 =	vadd.f32 v1, v0  }
0x4b: {  	v1 =	vld [tilespmem:s22+$0x6C00]  }
0x4c: {  	v0 =	vadd.f32 v2, v0  }
0x4d: {  	v2 =	vld [tilespmem:s22+$0x6C80]  }
0x4e: {  	v0 =	vadd.f32 v3, v0  }
0x4f: {  	v3 =	vld [tilespmem:s22+$0x6D00]  }
0x50: {  	v0 =	vadd.f32 v1, v0  }
0x51: {  	v1 =	vld [tilespmem:s22+$0x6D80]  }
0x52: {  	v0 =	vadd.f32 v2, v0  }
0x53: {  	v2 =	vld [tilespmem:s22+$0x6E00]  }
0x54: {  	v0 =	vadd.f32 v3, v0  }
0x55: {  	v3 =	vld [tilespmem:s22+$0x6E80]  }
0x56: {  	v0 =	vadd.f32 v1, v0  }
0x57: {  	v1 =	vld [tilespmem:s22+$0x6F00]  }
0x58: {  	v0 =	vadd.f32 v2, v0  }
0x59: {  	v2 =	vld [tilespmem:s22+$0x6F80]  }
0x5a: {  	v0 =	vadd.f32 v3, v0  }
0x5b: {  	v3 =	vld [tilespmem:s22+$0x7000]  }
0x5c: {  	v0 =	vadd.f32 v1, v0  }
0x5d: {  	v1 =	vld [tilespmem:s22+$0x7080]  }
0x5e: {  	v0 =	vadd.f32 v2, v0  }
0x5f: {  	v2 =	vld [tilespmem:s22+$0x7100]  }
0x60: {  	v0 =	vadd.f32 v3, v0  }
0x61: {  	v3 =	vld [tilespmem:s22+$0x7180]  }
0x62: {  	v0 =	vadd.f32 v1, v0  }
0x63: {  	v1 =	vld [tilespmem:s22+$0x7200]  }
0x64: {  	v0 =	vadd.f32 v2, v0  }
0x65: {  	v2 =	vld [tilespmem:s22+$0x7280]  }
0x66: {  	v0 =	vadd.f32 v3, v0  }
0x67: {  	v3 =	vld [tilespmem:s22+$0x7300]  }
0x68: {  	v0 =	vadd.f32 v1, v0  }
0x69: {  	v1 =	vld [tilespmem:s22+$0x7380]  }
0x6a: {  	v0 =	vadd.f32 v2, v0  }
0x6b: {  	v2 =	vld [tilespmem:s22+$0x7400]  }
0x6c: {  	v0 =	vadd.f32 v3, v0  }
0x6d: {  	v3 =	vld [tilespmem:s22+$0x7480]  }
0x6e: {  	v0 =	vadd.f32 v1, v0  }
0x6f: {  	v1 =	vld [tilespmem:s22+$0x7500]  }
0x70: {  	v0 =	vadd.f32 v2, v0  }
0x71: {  	v2 =	vld [tilespmem:s22+$0x7580]  }
0x72: {  	v0 =	vadd.f32 v3, v0  }
0x73: {  	v3 =	vld [tilespmem:s22+$0x7600]  }
0x74: {  	v0 =	vadd.f32 v1, v0  }
0x75: {  	v1 =	vld [tilespmem:s22+$0x7680]  }
0x76: {  	v0 =	vadd.f32 v2, v0  }
0x77: {  	v2 =	vld [tilespmem:s22+$0x7700]  }
0x78: {  	v0 =	vadd.f32 v3, v0  }
0x79: {  	v3 =	vld [tilespmem:s22+$0x7780]  }
0x7a: {  	v0 =	vadd.f32 v1, v0  }
0x7b: {  	v1 =	vld [tilespmem:s22+$0x7800]  }
0x7c: {  	v0 =	vadd.f32 v2, v0  }
0x7d: {  	v2 =	vld [tilespmem:s22+$0x7880]  }
0x7e: {  	v0 =	vadd.f32 v3, v0  }
0x7f: {  	v3 =	vld [tilespmem:s22+$0x7900]  }
0x80: {  	v0 =	vadd.f32 v1, v0  }
0x81: {  	v1 =	vld [tilespmem:s22+$0x7980]  }
0x82: {  	v0 =	vadd.f32 v2, v0  }
0x83: {  	v2 =	vld [tilespmem:s22+$0x7A00]  }
0x84: {  	v0 =	vadd.f32 v3, v0  }
0x85: {  	v3 =	vld [tilespmem:s22+$0x7A80]  }
0x86: {  	v0 =	vadd.f32 v1, v0  }
0x87: {  	v1 =	vld [tilespmem:s22+$0x7B00]  }
0x88: {  	v0 =	vadd.f32 v2, v0  }
0x89: {  	v2 =	vld [tilespmem:s22+$0x7B80]  }
0x8a: {  	v0 =	vadd.f32 v3, v0;
	_ =	sdelay $0x1  }
0x8b: {  	v3 =	vld [tilespmem:s22+$0x7C00];
	v0 =	vadd.f32 v1, v0;
	_ =	sdelay $0x1  }
0x8c: {  	v1 =	vadd.f32 v2, v0;
	v0 =	vld [tilespmem:s22+$0x7C80];
	_ =	sdelay $0x1  }
0x8d: {  	s23 =	simm.s32 $0x0  }
0x8e: {  	s24 =	smul.u32 $0x6400, s23;
	v1 =	vadd.f32 v3, v1  }
0x8f: {  	s23 =	simm.s32 $0x0;
	s19 =	simm.s32 $0x1;
	s22 =	simm.s32 $0x2  }
.LBB2_6:
0x90: {  	p0 =	sne.s32 s22, $0x1F;
	v0 =	vadd.f32 v0, v1;
	s23 =	sand.u32 $0x3FFFFF80, s23;
	s21 =	sadd.s32 $0x10, s21  }
0x91: {  	s24 =	sshra.s32 s24, $0x2;
	s23 =	sor.u32 s20, s23;
	s20 =	sand.u32 $0x70, s21  }
0x92: {  	s24 =	sor.u32 s20, s24;
	[tilespmem:s23+$0xC800] =	vst v0;
	s23 =	smov.u32 s19;
	s19 =	smov.u32 s22  }
0x93: {  	v0 =	vld [tilespmem:s24+$0x6480]  }
0x94: {  	v1 =	vld [tilespmem:s24+$0x6400];
	_ =	sdelay $0x1  }
0x95: {  	v2 =	vld [tilespmem:s24+$0x6500];
	_ =	sdelay $0x1  }
0x96: {  	v3 =	vld [tilespmem:s24+$0x6580]  }
0x97: {  	v0 =	vadd.f32 v0, v1  }
0x98: {  	v1 =	vld [tilespmem:s24+$0x6600]  }
0x99: {  	v0 =	vadd.f32 v2, v0  }
0x9a: {  	v2 =	vld [tilespmem:s24+$0x6680]  }
0x9b: {  	v0 =	vadd.f32 v3, v0  }
0x9c: {  	v3 =	vld [tilespmem:s24+$0x6700]  }
0x9d: {  	v0 =	vadd.f32 v1, v0  }
0x9e: {  	v1 =	vld [tilespmem:s24+$0x6780]  }
0x9f: {  	v0 =	vadd.f32 v2, v0  }
0xa0: {  	v2 =	vld [tilespmem:s24+$0x6800]  }
0xa1: {  	v0 =	vadd.f32 v3, v0  }
0xa2: {  	v3 =	vld [tilespmem:s24+$0x6880]  }
0xa3: {  	v0 =	vadd.f32 v1, v0  }
0xa4: {  	v1 =	vld [tilespmem:s24+$0x6900]  }
0xa5: {  	v0 =	vadd.f32 v2, v0  }
0xa6: {  	v2 =	vld [tilespmem:s24+$0x6980]  }
0xa7: {  	v0 =	vadd.f32 v3, v0  }
0xa8: {  	v3 =	vld [tilespmem:s24+$0x6A00]  }
0xa9: {  	v0 =	vadd.f32 v1, v0  }
0xaa: {  	v1 =	vld [tilespmem:s24+$0x6A80]  }
0xab: {  	v0 =	vadd.f32 v2, v0  }
0xac: {  	v2 =	vld [tilespmem:s24+$0x6B00]  }
0xad: {  	v0 =	vadd.f32 v3, v0  }
0xae: {  	v3 =	vld [tilespmem:s24+$0x6B80]  }
0xaf: {  	v0 =	vadd.f32 v1, v0  }
0xb0: {  	v1 =	vld [tilespmem:s24+$0x6C00]  }
0xb1: {  	v0 =	vadd.f32 v2, v0  }
0xb2: {  	v2 =	vld [tilespmem:s24+$0x6C80]  }
0xb3: {  	v0 =	vadd.f32 v3, v0  }
0xb4: {  	v3 =	vld [tilespmem:s24+$0x6D00]  }
0xb5: {  	v0 =	vadd.f32 v1, v0  }
0xb6: {  	v1 =	vld [tilespmem:s24+$0x6D80]  }
0xb7: {  	v0 =	vadd.f32 v2, v0  }
0xb8: {  	v2 =	vld [tilespmem:s24+$0x6E00]  }
0xb9: {  	v0 =	vadd.f32 v3, v0  }
0xba: {  	v3 =	vld [tilespmem:s24+$0x6E80]  }
0xbb: {  	v0 =	vadd.f32 v1, v0  }
0xbc: {  	v1 =	vld [tilespmem:s24+$0x6F00]  }
0xbd: {  	v0 =	vadd.f32 v2, v0  }
0xbe: {  	v2 =	vld [tilespmem:s24+$0x6F80]  }
0xbf: {  	v0 =	vadd.f32 v3, v0  }
0xc0: {  	v3 =	vld [tilespmem:s24+$0x7000]  }
0xc1: {  	v0 =	vadd.f32 v1, v0  }
0xc2: {  	v1 =	vld [tilespmem:s24+$0x7080]  }
0xc3: {  	v0 =	vadd.f32 v2, v0  }
0xc4: {  	v2 =	vld [tilespmem:s24+$0x7100]  }
0xc5: {  	v0 =	vadd.f32 v3, v0  }
0xc6: {  	v3 =	vld [tilespmem:s24+$0x7180]  }
0xc7: {  	v0 =	vadd.f32 v1, v0  }
0xc8: {  	v1 =	vld [tilespmem:s24+$0x7200]  }
0xc9: {  	v0 =	vadd.f32 v2, v0  }
0xca: {  	v2 =	vld [tilespmem:s24+$0x7280]  }
0xcb: {  	v0 =	vadd.f32 v3, v0  }
0xcc: {  	v3 =	vld [tilespmem:s24+$0x7300]  }
0xcd: {  	v0 =	vadd.f32 v1, v0  }
0xce: {  	v1 =	vld [tilespmem:s24+$0x7380]  }
0xcf: {  	v0 =	vadd.f32 v2, v0  }
0xd0: {  	v2 =	vld [tilespmem:s24+$0x7400]  }
0xd1: {  	v0 =	vadd.f32 v3, v0  }
0xd2: {  	v3 =	vld [tilespmem:s24+$0x7480]  }
0xd3: {  	v0 =	vadd.f32 v1, v0  }
0xd4: {  	v1 =	vld [tilespmem:s24+$0x7500]  }
0xd5: {  	v0 =	vadd.f32 v2, v0  }
0xd6: {  	v2 =	vld [tilespmem:s24+$0x7580]  }
0xd7: {  	v0 =	vadd.f32 v3, v0  }
0xd8: {  	v3 =	vld [tilespmem:s24+$0x7600]  }
0xd9: {  	v0 =	vadd.f32 v1, v0  }
0xda: {  	v1 =	vld [tilespmem:s24+$0x7680]  }
0xdb: {  	v0 =	vadd.f32 v2, v0  }
0xdc: {  	v2 =	vld [tilespmem:s24+$0x7700]  }
0xdd: {  	v0 =	vadd.f32 v3, v0  }
0xde: {  	v3 =	vld [tilespmem:s24+$0x7780]  }
0xdf: {  	v0 =	vadd.f32 v1, v0  }
0xe0: {  	v1 =	vld [tilespmem:s24+$0x7800]  }
0xe1: {  	v0 =	vadd.f32 v2, v0  }
0xe2: {  	v2 =	vld [tilespmem:s24+$0x7880]  }
0xe3: {  	v0 =	vadd.f32 v3, v0  }
0xe4: {  	v3 =	vld [tilespmem:s24+$0x7900]  }
0xe5: {  	v0 =	vadd.f32 v1, v0  }
0xe6: {  	v1 =	vld [tilespmem:s24+$0x7980]  }
0xe7: {  	v0 =	vadd.f32 v2, v0  }
0xe8: {  	v2 =	vld [tilespmem:s24+$0x7A00]  }
0xe9: {  	v0 =	vadd.f32 v3, v0  }
0xea: {  	v3 =	vld [tilespmem:s24+$0x7A80]  }
0xeb: {  	v0 =	vadd.f32 v1, v0  }
0xec: {  	v1 =	vld [tilespmem:s24+$0x7B00]  }
0xed: {  	v0 =	vadd.f32 v2, v0  }
0xee: {  	v2 =	vld [tilespmem:s24+$0x7B80]  }
0xef: {  	v0 =	vadd.f32 v3, v0  }
0xf0: {  	v3 =	vld [tilespmem:s24+$0x7C00]  }
0xf1: {  	v1 =	vadd.f32 v1, v0  }
.Ltmp2:
0xf2: {  	v0 =	vld [tilespmem:s24+$0x7C80];
	(pc) =	sbr.rel @p0 .LBB2_6-.Ltmp2, $3  }
0xf3: {  	v1 =	vadd.f32 v2, v1;
	_ =	sdelay $0x1  }
0xf4: {  	s24 =	sshrl.u32 s22, $0x3;
	v1 =	vadd.f32 v3, v1  }
0xf5: {  	s23 =	sshll.u32 s23, $0x4;
	s22 =	sadd.s32 $0x1, s22;
	s24 =	smul.u32 $0x6400, s24  }
0xf6: {  	v0 =	vadd.f32 v0, v1;
	s22 =	sand.u32 $0x3FFFFF80, s23;
	s21 =	sadd.s32 $0x10, s21  }
0xf7: {  	s21 =	sand.u32 $0x70, s21;
	s30 =	sshra.s32 s24, $0x2;
	s22 =	sor.u32 s20, s22  }
0xf8: {  	s31 =	sor.u32 s21, s30;
	[tilespmem:s22+$0xC800] =	vst v0  }
0xf9: {  	v0 =	vld [tilespmem:s31+$0x6480]  }
0xfa: {  	v17 =	vld [tilespmem:s31+$0x6400];
	_ =	sdelay $0x1  }
0xfb: {  	v2 =	vld [tilespmem:s31+$0x6500];
	_ =	sdelay $0x1  }
0xfc: {  	v3 =	vld [tilespmem:s31+$0x6580]  }
0xfd: {  	v0 =	vadd.f32 v0, v17  }
0xfe: {  	v18 =	vld [tilespmem:s31+$0x6600]  }
0xff: {  	v0 =	vadd.f32 v2, v0  }
0x100: {  	v19 =	vld [tilespmem:s31+$0x6680]  }
0x101: {  	v0 =	vadd.f32 v3, v0  }
0x102: {  	v20 =	vld [tilespmem:s31+$0x6700]  }
0x103: {  	v0 =	vadd.f32 v18, v0  }
0x104: {  	v21 =	vld [tilespmem:s31+$0x6780]  }
0x105: {  	v0 =	vadd.f32 v19, v0  }
0x106: {  	v22 =	vld [tilespmem:s31+$0x6800]  }
0x107: {  	v0 =	vadd.f32 v20, v0  }
0x108: {  	v23 =	vld [tilespmem:s31+$0x6880]  }
0x109: {  	v0 =	vadd.f32 v21, v0  }
0x10a: {  	v24 =	vld [tilespmem:s31+$0x6900]  }
0x10b: {  	v0 =	vadd.f32 v22, v0  }
0x10c: {  	v25 =	vld [tilespmem:s31+$0x6980]  }
0x10d: {  	v0 =	vadd.f32 v23, v0  }
0x10e: {  	v26 =	vld [tilespmem:s31+$0x6A00]  }
0x10f: {  	v0 =	vadd.f32 v24, v0  }
0x110: {  	v27 =	vld [tilespmem:s31+$0x6A80]  }
0x111: {  	v0 =	vadd.f32 v25, v0  }
0x112: {  	v28 =	vld [tilespmem:s31+$0x6B00]  }
0x113: {  	v0 =	vadd.f32 v26, v0  }
0x114: {  	v29 =	vld [tilespmem:s31+$0x6B80]  }
0x115: {  	v0 =	vadd.f32 v27, v0  }
0x116: {  	v30 =	vld [tilespmem:s31+$0x6C00]  }
0x117: {  	v0 =	vadd.f32 v28, v0  }
0x118: {  	v31 =	vld [tilespmem:s31+$0x6C80]  }
0x119: {  	v0 =	vadd.f32 v29, v0  }
0x11a: {  	v32 =	vld [tilespmem:s31+$0x6D00]  }
0x11b: {  	v0 =	vadd.f32 v30, v0  }
0x11c: {  	v33 =	vld [tilespmem:s31+$0x6D80]  }
0x11d: {  	v0 =	vadd.f32 v31, v0  }
0x11e: {  	v34 =	vld [tilespmem:s31+$0x6E00]  }
0x11f: {  	v0 =	vadd.f32 v32, v0  }
0x120: {  	v35 =	vld [tilespmem:s31+$0x6E80]  }
0x121: {  	v0 =	vadd.f32 v33, v0  }
0x122: {  	v36 =	vld [tilespmem:s31+$0x6F00]  }
0x123: {  	v0 =	vadd.f32 v34, v0  }
0x124: {  	v37 =	vld [tilespmem:s31+$0x6F80]  }
0x125: {  	v0 =	vadd.f32 v35, v0  }
0x126: {  	v38 =	vld [tilespmem:s31+$0x7000]  }
0x127: {  	v0 =	vadd.f32 v36, v0  }
0x128: {  	v39 =	vld [tilespmem:s31+$0x7080]  }
0x129: {  	v0 =	vadd.f32 v37, v0  }
0x12a: {  	v40 =	vld [tilespmem:s31+$0x7100]  }
0x12b: {  	v0 =	vadd.f32 v38, v0  }
0x12c: {  	v41 =	vld [tilespmem:s31+$0x7180]  }
0x12d: {  	v0 =	vadd.f32 v39, v0  }
0x12e: {  	v42 =	vld [tilespmem:s31+$0x7200]  }
0x12f: {  	v0 =	vadd.f32 v40, v0  }
0x130: {  	v43 =	vld [tilespmem:s31+$0x7280]  }
0x131: {  	v0 =	vadd.f32 v41, v0  }
0x132: {  	v44 =	vld [tilespmem:s31+$0x7300]  }
0x133: {  	v0 =	vadd.f32 v42, v0  }
0x134: {  	v45 =	vld [tilespmem:s31+$0x7380]  }
0x135: {  	v0 =	vadd.f32 v43, v0  }
0x136: {  	v46 =	vld [tilespmem:s31+$0x7400]  }
0x137: {  	v0 =	vadd.f32 v44, v0  }
0x138: {  	v47 =	vld [tilespmem:s31+$0x7480]  }
0x139: {  	v0 =	vadd.f32 v45, v0  }
0x13a: {  	v48 =	vld [tilespmem:s31+$0x7500]  }
0x13b: {  	v0 =	vadd.f32 v46, v0  }
0x13c: {  	v49 =	vld [tilespmem:s31+$0x7580]  }
0x13d: {  	v0 =	vadd.f32 v47, v0  }
0x13e: {  	v50 =	vld [tilespmem:s31+$0x7600]  }
0x13f: {  	v0 =	vadd.f32 v48, v0  }
0x140: {  	v51 =	vld [tilespmem:s31+$0x7680]  }
0x141: {  	v0 =	vadd.f32 v49, v0  }
0x142: {  	v52 =	vld [tilespmem:s31+$0x7700]  }
0x143: {  	v0 =	vadd.f32 v50, v0  }
0x144: {  	v53 =	vld [tilespmem:s31+$0x7780]  }
0x145: {  	v0 =	vadd.f32 v51, v0  }
0x146: {  	v54 =	vld [tilespmem:s31+$0x7800]  }
0x147: {  	v0 =	vadd.f32 v52, v0  }
0x148: {  	v55 =	vld [tilespmem:s31+$0x7880]  }
0x149: {  	v0 =	vadd.f32 v53, v0  }
0x14a: {  	v56 =	vld [tilespmem:s31+$0x7900]  }
0x14b: {  	v0 =	vadd.f32 v54, v0  }
0x14c: {  	v57 =	vld [tilespmem:s31+$0x7980]  }
0x14d: {  	v0 =	vadd.f32 v55, v0  }
0x14e: {  	v58 =	vld [tilespmem:s31+$0x7A00]  }
0x14f: {  	v0 =	vadd.f32 v56, v0  }
0x150: {  	v59 =	vld [tilespmem:s31+$0x7A80]  }
0x151: {  	v0 =	vadd.f32 v57, v0  }
0x152: {  	v60 =	vld [tilespmem:s31+$0x7B00]  }
0x153: {  	v0 =	vadd.f32 v58, v0  }
0x154: {  	v61 =	vld [tilespmem:s31+$0x7B80]  }
0x155: {  	v0 =	vadd.f32 v59, v0  }
0x156: {  	v62 =	vld [tilespmem:s31+$0x7C00]  }
0x157: {  	v0 =	vadd.f32 v60, v0  }
0x158: {  	v63 =	vld [tilespmem:s31+$0x7C80]  }
0x159: {  	v0 =	vadd.f32 v61, v0;
	_ =	sdelay $0x1  }
0x15a: {  	v0 =	vadd.f32 v62, v0  }
0x15b: {  	s19 =	sshll.u32 s19, $0x4  }
0x15c: {  	s18 =	sadd.s32 $0x1, s18;
	s19 =	sand.u32 $0x3FFFFF80, s19;
	v0 =	vadd.f32 v63, v0  }
0x15d: {  	p0 =	sne.s32 s18, s9;
	s19 =	sor.u32 s21, s19  }
.Ltmp3:
0x15e: {  	[tilespmem:s19+$0xC800] =	vst v0;
	(pc) =	sbr.rel @p0 .LBB2_1-.Ltmp3, $4  }
0x15f: {  	[hbm4b:s8+s2] =	stream.linear.scatter [tilespmem:s17], [sflag:$0x2], $0x200, $0x38;
	[tilespmem:$0xCA00] =	vst v63  }
0x160: {  	_ =	swait.ge [sflag:s12], $0x200  }
0x161: {  	[sflag:s12] =	ssyncset.done $0x0  }
0x162: {  	[sflag:s12] =	ssyncadd.s32 $0xFFFFFE00  }
0x163: {  	_ =	sfence.sel $0x180000  }
0x164: {  	[bflag:$0x0] =	sbarrier.arrive $0xFFFF  }
0x165: {  	p0 =	sne.s32 s1, $0x0;
	_ =	strace $0x90000047  }
0x166: {  	s0 =	sadd.s32 @!p0 $0x100000, s0;
	[bflag:$0x2] =	sbarrier.arrive $0xFFFF  }
0x167: {  	[sflag:s0] =	ssyncadd.tile.s32 @!p0 $0x1;
	_ =	shalt  }
.Lfunc_end2:
_tile_overlayer_lowered:
.L_overlay_start_2:
0x168: {  	(tag) =	ssettag $0x2  }
0x169: {  	s0 =	rddreg [dreg:$0x0];
	s2 =	stileid.u32  }
0x16a: {  	s1 =	rddreg [dreg:$0x1];
	p0 =	sne.s32 s2, $0x0  }
0x16b: {  	s3 =	rddreg [dreg:$0x2];
	[bflag:$0x3] =	sbarrier.arrive $0xFFFF;
	s2 =	simm.s32 @!p0 $0x1C02  }
0x16c: {  	[timem:s3], [sflag:s2] =	dma.local @!p0 [hbm:s0], s1  }
0x16d: {  	s0 =	simm.s32 @!p0 $0x2  }
0x16e: {  	_ =	swait.ge @!p0 [sflag:s0], s1  }
0x16f: {  	s1 =	ssub.s32 @!p0 $0x0, s1;
	[sflag:s0] =	ssyncset.done @!p0 $0x0  }
0x170: {  	[sflag:s0] =	ssyncadd.s32 @!p0 s1  }
0x171: {  	[bflag:$0x3] =	sbarrier.arrive $0xFFFF  }
0x172: {  	_ =	shalt  }

</sc_bundles>
